<compile_context>
chip_gen: v7x
topology: tpu7x:2x2x1
jax: 0.10.2.dev20260603
libtpu: 0.0.44.dev20260713+nightly
codegen_flags: <defaults>
</compile_context>

<pallas_src>
import functools
import math

import jax
import jax.numpy as jnp
import numpy as np
from jax import lax
from jax.experimental import pallas as pl
from jax.experimental.pallas import tpu as pltpu
from jax.experimental.pallas import tpu_sc as plsc

_VOCAB = 100000
_HID = 1024
_BSZ = 4
_QLEN = 2048
_NIDS = _BSZ * _QLEN
_NW = 32
_IDS_PER_W = _NIDS // _NW
_CHUNK = 32
_NCHUNK = _IDS_PER_W // _CHUNK


_SC_RING = 3


def _gather_body(ids_hbm, table_hbm, out_hbm, idx_v, buf_a, buf_b, buf_c,
                 sem_g, sem_s):
    wid = lax.axis_index("s") * 2 + lax.axis_index("c")
    base = wid * _IDS_PER_W
    pltpu.sync_copy(ids_hbm.at[wid], idx_v)

    bufs = [buf_a, buf_b, buf_c]
    gathers = [None] * _NCHUNK
    stores = [None] * _NCHUNK
    for c in range(_NCHUNK + _SC_RING - 1):
        if c < _NCHUNK:
            if c >= _SC_RING:
                stores[c - _SC_RING].wait()
            gathers[c] = pltpu.async_copy(
                table_hbm.at[idx_v.at[c]], bufs[c % _SC_RING], sem_g)
        j = c - (_SC_RING - 1)
        if 0 <= j < _NCHUNK:
            gathers[j].wait()
            stores[j] = pltpu.async_copy(
                bufs[j % _SC_RING],
                out_hbm.at[pl.ds(base + j * _CHUNK, _CHUNK)], sem_s)
    for j in range(_NCHUNK - _SC_RING, _NCHUNK):
        stores[j].wait()


@functools.partial(jax.jit, static_argnums=())
def _sc_gather(ids_flat, table):
    mesh = plsc.VectorSubcoreMesh(core_axis_name="c", subcore_axis_name="s")
    run = pl.kernel(
        _gather_body,
        out_type=jax.ShapeDtypeStruct((_NIDS, _HID), jnp.float32),
        mesh=mesh,
        scratch_types=[
            pltpu.VMEM((_NCHUNK, _CHUNK), jnp.int32),
            pltpu.VMEM((_CHUNK, _HID), jnp.float32),
            pltpu.VMEM((_CHUNK, _HID), jnp.float32),
            pltpu.VMEM((_CHUNK, _HID), jnp.float32),
            pltpu.SemaphoreType.DMA,
            pltpu.SemaphoreType.DMA,
        ],
    )
    return run(ids_flat.reshape(_NW, _NCHUNK, _CHUNK), table)


_NPE = 2 * _QLEN
_HALF = _HID // 2
_UR2 = 128

_INV_FREQ = np.exp(np.arange(_HALF, dtype=np.float64)
                   * (-math.log(10000.0) / _HALF)).astype(np.float32)


_NGRP = _NPE * _BSZ // 8
_NCH = 16
_CH = _NGRP // _NCH
_RING = 4


_TWO_OVER_PI = 0.6366197723675814
_P1 = 1.5707855224609375
_P2 = 1.0804334124e-05
_P3 = 1.9893587e-11
_SS = (-1.6666667163e-01, 8.3333337680e-03, -1.9841270114e-04, 2.7557314297e-06)
_CC = (-0.5, 4.1666667908e-02, -1.3888889225e-03, 2.4801587642e-05)


def _sincos(x):
    t = x * _TWO_OVER_PI
    q_i = (t + jnp.where(t >= 0, 0.5, -0.5)).astype(jnp.int32)
    k = q_i.astype(jnp.float32)
    r = ((x - k * _P1) - k * _P2) - k * _P3
    r2 = r * r
    sp = r + r * (r2 * (_SS[0] + r2 * (_SS[1] + r2 * (_SS[2] + r2 * _SS[3]))))
    cp = 1.0 + r2 * (_CC[0] + r2 * (_CC[1] + r2 * (_CC[2] + r2 * _CC[3])))
    swap = (q_i & 1) == 1
    q = q_i & 3
    neg_s = (q == 2) | (q == 3)
    neg_c = (q == 1) | (q == 2)
    sin_base = jnp.where(swap, cp, sp)
    cos_base = jnp.where(swap, sp, cp)
    sin_x = jnp.where(neg_s, -sin_base, sin_base)
    cos_x = jnp.where(neg_c, -cos_base, cos_base)
    return sin_x, cos_x


def _pos_chunk(invf_ref, c):
    u = lax.broadcasted_iota(jnp.int32, (_CH, _HALF), 0).astype(jnp.float32)
    inv_freq = jnp.broadcast_to(invf_ref[0:1, :], (_CH, _HALF))
    s_even = (_QLEN - 2 * _CH * c) - 2.0 * u
    ang_e = s_even * inv_freq
    ang_o = ang_e - inv_freq
    se, ce = _sincos(ang_e)
    so, co = _sincos(ang_o)
    pe_e = jnp.concatenate([se, ce], axis=1)
    pe_o = jnp.concatenate([so, co], axis=1)
    sub = lax.broadcasted_iota(jnp.int32, (_CH, 8, _HID), 1)
    return jnp.where(sub < 4, pe_e[:, None, :], pe_o[:, None, :])


def _pos_body(invf_ref, o_hbm, *scratch):
    bufs, sems = scratch[:_RING], scratch[_RING:]
    copies = [None] * _NCH
    for c in range(_NCH):
        b = c % _RING
        if c >= _RING:
            copies[c - _RING].wait()
        bufs[b][...] = _pos_chunk(invf_ref, c)
        copies[c] = pltpu.make_async_copy(
            bufs[b], o_hbm.at[pl.ds(c * _CH, _CH)], sems[b])
        copies[c].start()
    for c in range(_NCH - _RING, _NCH):
        copies[c].wait()


def _pos_emb():
    invf = jnp.asarray(np.broadcast_to(_INV_FREQ[None, :], (8, _HALF)))
    out = pl.pallas_call(
        _pos_body,
        out_shape=jax.ShapeDtypeStruct((_NGRP, 8, _HID), jnp.float32),
        in_specs=[pl.BlockSpec(memory_space=pltpu.MemorySpace.VMEM)],
        out_specs=pl.BlockSpec(memory_space=pltpu.MemorySpace.HBM),
        scratch_shapes=([pltpu.VMEM((_CH, 8, _HID), jnp.float32)] * _RING
                        + [pltpu.SemaphoreType.DMA] * _RING),
    )(invf)
    return out.reshape(_BSZ, 2 * _QLEN, _HID)


def kernel(token_id_input, W):
    word = _sc_gather(token_id_input.reshape(-1), W)
    pos = _pos_emb()
    return (word.reshape(_BSZ, _QLEN, _HID), pos)

# --- scband reference (transcript-rebuilt; emitter-appended) ---
"""Pipeline reference for scband-content-and-query-embedding-28707561406906 (READ-ONLY COPY).

The authoritative reference and input builder live on the scoring server;
editing this copy changes nothing except your own understanding.
"""

import jax, jax.numpy as jnp
import numpy as np

VOCAB = 100000
HID = 1024
BSZ = 4
QLEN = 2048


def setup_inputs(seed: int = 0) -> dict:
    key = jax.random.key(seed)
    k1, k2 = jax.random.split(key)
    token_id_input = jax.random.randint(k1, (BSZ, QLEN), 0, VOCAB, dtype=jnp.int32)
    # learned embedding table (keras Embedding default init ~ uniform; use small normal)
    W = jax.random.normal(k2, (VOCAB, HID), dtype=jnp.float32) * 0.02
    return {"token_id_input": token_id_input, "W": W}


def reference(token_id_input, W):
    # dropout is identity at inference; mlen defaults to 0
    bsz, qlen = token_id_input.shape
    hidden_dim = W.shape[1]
    mlen = 0
    klen = mlen + qlen

    # word embedding lookup (gather)
    word_emb = jnp.take(W, token_id_input, axis=0)

    # relative positional encoding
    freq_seq = jnp.arange(0, hidden_dim, 2.0, dtype=jnp.float32)
    inv_freq = 1.0 / (10000.0 ** (freq_seq / hidden_dim))
    fwd_pos_seq = jnp.arange(klen, -qlen, -1.0, dtype=jnp.float32)
    sinusoid_inp = jnp.einsum('i,d->id', fwd_pos_seq, inv_freq)
    pos_emb = jnp.concatenate([jnp.sin(sinusoid_inp), jnp.cos(sinusoid_inp)], axis=-1)
    pos_emb = jnp.expand_dims(pos_emb, 1)
    pos_emb = jnp.ones((pos_emb.shape[0], pos_emb.shape[1] * bsz, pos_emb.shape[2]), dtype=jnp.float32) * pos_emb
    # NOTE: original uses reshape (not transpose) — keep faithful
    pos_emb = jnp.reshape(pos_emb, (pos_emb.shape[1], pos_emb.shape[0], pos_emb.shape[2]))
    return (word_emb, pos_emb)

if __name__ == "__main__":
    import jax
    _d = setup_inputs()
    print(jax.jit(kernel)(*tuple(_d.values())))

</pallas_src>

<mosaic_0001>
#map = affine_map<(d0, d1) -> (0, 0, 0)>
#map1 = affine_map<(d0, d1) -> (0, 0)>
module attributes {stable_mosaic.version = 14 : i64} {
  func.func @_gather_body(%arg0: i32, %arg1: i32, %arg2: memref<32x8x32xi32, #tpu.memory_space<hbm>>, %arg3: memref<100000x1024xf32, #tpu.memory_space<hbm>>, %arg4: memref<8192x1024xf32, #tpu.memory_space<hbm>>, %arg5: memref<8x32xi32, #tpu.memory_space<vmem>>, %arg6: memref<32x1024xf32, #tpu.memory_space<vmem>>, %arg7: memref<32x1024xf32, #tpu.memory_space<vmem>>, %arg8: memref<32x1024xf32, #tpu.memory_space<vmem>>, %arg9: memref<!tpu.dma_semaphore, #tpu.memory_space<semaphore_mem>>, %arg10: memref<!tpu.dma_semaphore, #tpu.memory_space<semaphore_mem>>) attributes {dimension_semantics = [#tpu.dimension_semantics<core_parallel>, #tpu.dimension_semantics<subcore_parallel>], iteration_bounds = array<i64: 2, 16>, scalar_prefetch = 0 : i64, scratch_operands = 6 : i64, tpu.core_type = #tpu.core_type<sc_vector_subcore>, window_params = [{transform_indices = #map}, {transform_indices = #map1}, {transform_indices = #map1}]} {
    %mul3A = arith.constant 2 : i32
    %mul3A_0 = arith.muli %arg1, %mul3A : i32
    %add3A = arith.addi %mul3A_0, %arg0 : i32
    %mul3A_1 = arith.constant 256 : i32
    %mul3A_2 = arith.muli %add3A, %mul3A_1 : i32
    "tpu.region"() ({
      %run_scoped3A = tpu.sem_alloc : memref<!tpu.dma_semaphore, #tpu.memory_space<semaphore_mem>>
      %dma_start3A_193 = arith.constant 0 : i32
      %dma_start3A_194 = arith.constant 0 : i32
      %dma_start3A_195 = tpu.memref_slice %arg2[%add3A, %dma_start3A_193, %dma_start3A_194] : memref<32x8x32xi32, #tpu.memory_space<hbm>> -> memref<1x8x32xi32, #tpu.memory_space<hbm>>
      %dma_start3A_196 = tpu.memref_squeeze %dma_start3A_195 : memref<1x8x32xi32, #tpu.memory_space<hbm>> -> memref<8x32xi32, #tpu.memory_space<hbm>>
      %dma_start3A_197 = arith.constant 0 : i32
      %dma_start3A_198 = arith.constant 0 : i32
      %dma_start3A_199 = tpu.memref_slice %arg2[%add3A, %dma_start3A_197, %dma_start3A_198] : memref<32x8x32xi32, #tpu.memory_space<hbm>> -> memref<1x8x32xi32, #tpu.memory_space<hbm>>
      %dma_start3A_200 = tpu.memref_squeeze %dma_start3A_199 : memref<1x8x32xi32, #tpu.memory_space<hbm>> -> memref<8x32xi32, #tpu.memory_space<hbm>>
      tpu.enqueue_dma source(%dma_start3A_200 : memref<8x32xi32, #tpu.memory_space<hbm>>) target(%arg5 : memref<8x32xi32, #tpu.memory_space<vmem>>) target_semaphore(%run_scoped3A : memref<!tpu.dma_semaphore, #tpu.memory_space<semaphore_mem>>)
      %dma_wait3A_201 = arith.constant 0 : i32
      %dma_wait3A_202 = arith.constant 0 : i32
      %dma_wait3A_203 = tpu.memref_slice %arg2[%add3A, %dma_wait3A_201, %dma_wait3A_202] : memref<32x8x32xi32, #tpu.memory_space<hbm>> -> memref<1x8x32xi32, #tpu.memory_space<hbm>>
      %dma_wait3A_204 = tpu.memref_squeeze %dma_wait3A_203 : memref<1x8x32xi32, #tpu.memory_space<hbm>> -> memref<8x32xi32, #tpu.memory_space<hbm>>
      %dma_wait3A_205 = arith.constant 0 : i32
      %dma_wait3A_206 = arith.constant 0 : i32
      %dma_wait3A_207 = tpu.memref_slice %arg2[%add3A, %dma_wait3A_205, %dma_wait3A_206] : memref<32x8x32xi32, #tpu.memory_space<hbm>> -> memref<1x8x32xi32, #tpu.memory_space<hbm>>
      %dma_wait3A_208 = tpu.memref_squeeze %dma_wait3A_207 : memref<1x8x32xi32, #tpu.memory_space<hbm>> -> memref<8x32xi32, #tpu.memory_space<hbm>>
      tpu.wait_dma2 semaphore(%run_scoped3A : memref<!tpu.dma_semaphore, #tpu.memory_space<semaphore_mem>>) src(%dma_wait3A_208 : memref<8x32xi32, #tpu.memory_space<hbm>>) dst(%arg5 : memref<8x32xi32, #tpu.memory_space<vmem>>)
      tpu.yield
    }) : () -> ()
    %dma_start3A = arith.constant 0 : i32
    %dma_start3A_3 = arith.constant 0 : i32
    %dma_start3A_4 = tpu.memref_slice %arg5[%dma_start3A, %dma_start3A_3] : memref<8x32xi32, #tpu.memory_space<vmem>> -> memref<1x32xi32, #tpu.memory_space<vmem>>
    %dma_start3A_5 = tpu.memref_squeeze %dma_start3A_4 : memref<1x32xi32, #tpu.memory_space<vmem>> -> memref<32xi32, #tpu.memory_space<vmem>>
    %dma_start3A_6 = arith.constant 0 : i32
    %dma_start3A_7 = arith.constant 0 : i32
    %dma_start3A_8 = tpu.memref_slice %arg3[%dma_start3A_6, %dma_start3A_7] : memref<100000x1024xf32, #tpu.memory_space<hbm>> -> memref<100000x1024xf32, #tpu.memory_space<hbm>>
    tpu.enqueue_indirect_dma source(%dma_start3A_8 : memref<100000x1024xf32, #tpu.memory_space<hbm>>) target(%arg6 : memref<32x1024xf32, #tpu.memory_space<vmem>>) offsets(%dma_start3A_5 : memref<32xi32, #tpu.memory_space<vmem>>) semaphore(%arg9 : memref<!tpu.dma_semaphore, #tpu.memory_space<semaphore_mem>>)
    %dma_start3A_9 = arith.constant 1 : i32
    %dma_start3A_10 = arith.constant 0 : i32
    %dma_start3A_11 = tpu.memref_slice %arg5[%dma_start3A_9, %dma_start3A_10] : memref<8x32xi32, #tpu.memory_space<vmem>> -> memref<1x32xi32, #tpu.memory_space<vmem>>
    %dma_start3A_12 = tpu.memref_squeeze %dma_start3A_11 : memref<1x32xi32, #tpu.memory_space<vmem>> -> memref<32xi32, #tpu.memory_space<vmem>>
    %dma_start3A_13 = arith.constant 0 : i32
    %dma_start3A_14 = arith.constant 0 : i32
    %dma_start3A_15 = tpu.memref_slice %arg3[%dma_start3A_13, %dma_start3A_14] : memref<100000x1024xf32, #tpu.memory_space<hbm>> -> memref<100000x1024xf32, #tpu.memory_space<hbm>>
    tpu.enqueue_indirect_dma source(%dma_start3A_15 : memref<100000x1024xf32, #tpu.memory_space<hbm>>) target(%arg7 : memref<32x1024xf32, #tpu.memory_space<vmem>>) offsets(%dma_start3A_12 : memref<32xi32, #tpu.memory_space<vmem>>) semaphore(%arg9 : memref<!tpu.dma_semaphore, #tpu.memory_space<semaphore_mem>>)
    %dma_start3A_16 = arith.constant 2 : i32
    %dma_start3A_17 = arith.constant 0 : i32
    %dma_start3A_18 = tpu.memref_slice %arg5[%dma_start3A_16, %dma_start3A_17] : memref<8x32xi32, #tpu.memory_space<vmem>> -> memref<1x32xi32, #tpu.memory_space<vmem>>
    %dma_start3A_19 = tpu.memref_squeeze %dma_start3A_18 : memref<1x32xi32, #tpu.memory_space<vmem>> -> memref<32xi32, #tpu.memory_space<vmem>>
    %dma_start3A_20 = arith.constant 0 : i32
    %dma_start3A_21 = arith.constant 0 : i32
    %dma_start3A_22 = tpu.memref_slice %arg3[%dma_start3A_20, %dma_start3A_21] : memref<100000x1024xf32, #tpu.memory_space<hbm>> -> memref<100000x1024xf32, #tpu.memory_space<hbm>>
    tpu.enqueue_indirect_dma source(%dma_start3A_22 : memref<100000x1024xf32, #tpu.memory_space<hbm>>) target(%arg8 : memref<32x1024xf32, #tpu.memory_space<vmem>>) offsets(%dma_start3A_19 : memref<32xi32, #tpu.memory_space<vmem>>) semaphore(%arg9 : memref<!tpu.dma_semaphore, #tpu.memory_space<semaphore_mem>>)
    %dma_wait3A = arith.constant 0 : i32
    %dma_wait3A_23 = arith.constant 0 : i32
    %dma_wait3A_24 = tpu.memref_slice %arg5[%dma_wait3A, %dma_wait3A_23] : memref<8x32xi32, #tpu.memory_space<vmem>> -> memref<1x32xi32, #tpu.memory_space<vmem>>
    %dma_wait3A_25 = tpu.memref_squeeze %dma_wait3A_24 : memref<1x32xi32, #tpu.memory_space<vmem>> -> memref<32xi32, #tpu.memory_space<vmem>>
    %dma_wait3A_26 = arith.constant 0 : i32
    %dma_wait3A_27 = arith.constant 0 : i32
    %dma_wait3A_28 = tpu.memref_slice %arg3[%dma_wait3A_26, %dma_wait3A_27] : memref<100000x1024xf32, #tpu.memory_space<hbm>> -> memref<100000x1024xf32, #tpu.memory_space<hbm>>
    tpu.wait_indirect_dma semaphore(%arg9 : memref<!tpu.dma_semaphore, #tpu.memory_space<semaphore_mem>>) src(%dma_wait3A_28 : memref<100000x1024xf32, #tpu.memory_space<hbm>>) dst(%arg6 : memref<32x1024xf32, #tpu.memory_space<vmem>>)
    %add3A_29 = arith.constant 0 : i32
    %add3A_30 = arith.addi %mul3A_2, %add3A_29 : i32
    %dma_start3A_31 = arith.constant 0 : i32
    %dma_start3A_32 = tpu.memref_slice %arg4[%add3A_30, %dma_start3A_31] : memref<8192x1024xf32, #tpu.memory_space<hbm>> -> memref<32x1024xf32, #tpu.memory_space<hbm>>
    %dma_start3A_33 = arith.constant 0 : i32
    %dma_start3A_34 = tpu.memref_slice %arg4[%add3A_30, %dma_start3A_33] : memref<8192x1024xf32, #tpu.memory_space<hbm>> -> memref<32x1024xf32, #tpu.memory_space<hbm>>
    tpu.enqueue_dma source(%arg6 : memref<32x1024xf32, #tpu.memory_space<vmem>>) target(%dma_start3A_34 : memref<32x1024xf32, #tpu.memory_space<hbm>>) target_semaphore(%arg10 : memref<!tpu.dma_semaphore, #tpu.memory_space<semaphore_mem>>)
    %dma_wait3A_35 = arith.constant 0 : i32
    %dma_wait3A_36 = tpu.memref_slice %arg4[%add3A_30, %dma_wait3A_35] : memref<8192x1024xf32, #tpu.memory_space<hbm>> -> memref<32x1024xf32, #tpu.memory_space<hbm>>
    %dma_wait3A_37 = arith.constant 0 : i32
    %dma_wait3A_38 = tpu.memref_slice %arg4[%add3A_30, %dma_wait3A_37] : memref<8192x1024xf32, #tpu.memory_space<hbm>> -> memref<32x1024xf32, #tpu.memory_space<hbm>>
    tpu.wait_dma2 semaphore(%arg10 : memref<!tpu.dma_semaphore, #tpu.memory_space<semaphore_mem>>) src(%arg6 : memref<32x1024xf32, #tpu.memory_space<vmem>>) dst(%dma_wait3A_38 : memref<32x1024xf32, #tpu.memory_space<hbm>>)
    %dma_start3A_39 = arith.constant 3 : i32
    %dma_start3A_40 = arith.constant 0 : i32
    %dma_start3A_41 = tpu.memref_slice %arg5[%dma_start3A_39, %dma_start3A_40] : memref<8x32xi32, #tpu.memory_space<vmem>> -> memref<1x32xi32, #tpu.memory_space<vmem>>
    %dma_start3A_42 = tpu.memref_squeeze %dma_start3A_41 : memref<1x32xi32, #tpu.memory_space<vmem>> -> memref<32xi32, #tpu.memory_space<vmem>>
    %dma_start3A_43 = arith.constant 0 : i32
    %dma_start3A_44 = arith.constant 0 : i32
    %dma_start3A_45 = tpu.memref_slice %arg3[%dma_start3A_43, %dma_start3A_44] : memref<100000x1024xf32, #tpu.memory_space<hbm>> -> memref<100000x1024xf32, #tpu.memory_space<hbm>>
    tpu.enqueue_indirect_dma source(%dma_start3A_45 : memref<100000x1024xf32, #tpu.memory_space<hbm>>) target(%arg6 : memref<32x1024xf32, #tpu.memory_space<vmem>>) offsets(%dma_start3A_42 : memref<32xi32, #tpu.memory_space<vmem>>) semaphore(%arg9 : memref<!tpu.dma_semaphore, #tpu.memory_space<semaphore_mem>>)
    %dma_wait3A_46 = arith.constant 1 : i32
    %dma_wait3A_47 = arith.constant 0 : i32
    %dma_wait3A_48 = tpu.memref_slice %arg5[%dma_wait3A_46, %dma_wait3A_47] : memref<8x32xi32, #tpu.memory_space<vmem>> -> memref<1x32xi32, #tpu.memory_space<vmem>>
    %dma_wait3A_49 = tpu.memref_squeeze %dma_wait3A_48 : memref<1x32xi32, #tpu.memory_space<vmem>> -> memref<32xi32, #tpu.memory_space<vmem>>
    %dma_wait3A_50 = arith.constant 0 : i32
    %dma_wait3A_51 = arith.constant 0 : i32
    %dma_wait3A_52 = tpu.memref_slice %arg3[%dma_wait3A_50, %dma_wait3A_51] : memref<100000x1024xf32, #tpu.memory_space<hbm>> -> memref<100000x1024xf32, #tpu.memory_space<hbm>>
    tpu.wait_indirect_dma semaphore(%arg9 : memref<!tpu.dma_semaphore, #tpu.memory_space<semaphore_mem>>) src(%dma_wait3A_52 : memref<100000x1024xf32, #tpu.memory_space<hbm>>) dst(%arg7 : memref<32x1024xf32, #tpu.memory_space<vmem>>)
    %add3A_53 = arith.constant 32 : i32
    %add3A_54 = arith.addi %mul3A_2, %add3A_53 : i32
    %dma_start3A_55 = arith.constant 0 : i32
    %dma_start3A_56 = tpu.memref_slice %arg4[%add3A_54, %dma_start3A_55] : memref<8192x1024xf32, #tpu.memory_space<hbm>> -> memref<32x1024xf32, #tpu.memory_space<hbm>>
    %dma_start3A_57 = arith.constant 0 : i32
    %dma_start3A_58 = tpu.memref_slice %arg4[%add3A_54, %dma_start3A_57] : memref<8192x1024xf32, #tpu.memory_space<hbm>> -> memref<32x1024xf32, #tpu.memory_space<hbm>>
    tpu.enqueue_dma source(%arg7 : memref<32x1024xf32, #tpu.memory_space<vmem>>) target(%dma_start3A_58 : memref<32x1024xf32, #tpu.memory_space<hbm>>) target_semaphore(%arg10 : memref<!tpu.dma_semaphore, #tpu.memory_space<semaphore_mem>>)
    %dma_wait3A_59 = arith.constant 0 : i32
    %dma_wait3A_60 = tpu.memref_slice %arg4[%add3A_54, %dma_wait3A_59] : memref<8192x1024xf32, #tpu.memory_space<hbm>> -> memref<32x1024xf32, #tpu.memory_space<hbm>>
    %dma_wait3A_61 = arith.constant 0 : i32
    %dma_wait3A_62 = tpu.memref_slice %arg4[%add3A_54, %dma_wait3A_61] : memref<8192x1024xf32, #tpu.memory_space<hbm>> -> memref<32x1024xf32, #tpu.memory_space<hbm>>
    tpu.wait_dma2 semaphore(%arg10 : memref<!tpu.dma_semaphore, #tpu.memory_space<semaphore_mem>>) src(%arg7 : memref<32x1024xf32, #tpu.memory_space<vmem>>) dst(%dma_wait3A_62 : memref<32x1024xf32, #tpu.memory_space<hbm>>)
    %dma_start3A_63 = arith.constant 4 : i32
    %dma_start3A_64 = arith.constant 0 : i32
    %dma_start3A_65 = tpu.memref_slice %arg5[%dma_start3A_63, %dma_start3A_64] : memref<8x32xi32, #tpu.memory_space<vmem>> -> memref<1x32xi32, #tpu.memory_space<vmem>>
    %dma_start3A_66 = tpu.memref_squeeze %dma_start3A_65 : memref<1x32xi32, #tpu.memory_space<vmem>> -> memref<32xi32, #tpu.memory_space<vmem>>
    %dma_start3A_67 = arith.constant 0 : i32
    %dma_start3A_68 = arith.constant 0 : i32
    %dma_start3A_69 = tpu.memref_slice %arg3[%dma_start3A_67, %dma_start3A_68] : memref<100000x1024xf32, #tpu.memory_space<hbm>> -> memref<100000x1024xf32, #tpu.memory_space<hbm>>
    tpu.enqueue_indirect_dma source(%dma_start3A_69 : memref<100000x1024xf32, #tpu.memory_space<hbm>>) target(%arg7 : memref<32x1024xf32, #tpu.memory_space<vmem>>) offsets(%dma_start3A_66 : memref<32xi32, #tpu.memory_space<vmem>>) semaphore(%arg9 : memref<!tpu.dma_semaphore, #tpu.memory_space<semaphore_mem>>)
    %dma_wait3A_70 = arith.constant 2 : i32
    %dma_wait3A_71 = arith.constant 0 : i32
    %dma_wait3A_72 = tpu.memref_slice %arg5[%dma_wait3A_70, %dma_wait3A_71] : memref<8x32xi32, #tpu.memory_space<vmem>> -> memref<1x32xi32, #tpu.memory_space<vmem>>
    %dma_wait3A_73 = tpu.memref_squeeze %dma_wait3A_72 : memref<1x32xi32, #tpu.memory_space<vmem>> -> memref<32xi32, #tpu.memory_space<vmem>>
    %dma_wait3A_74 = arith.constant 0 : i32
    %dma_wait3A_75 = arith.constant 0 : i32
    %dma_wait3A_76 = tpu.memref_slice %arg3[%dma_wait3A_74, %dma_wait3A_75] : memref<100000x1024xf32, #tpu.memory_space<hbm>> -> memref<100000x1024xf32, #tpu.memory_space<hbm>>
    tpu.wait_indirect_dma semaphore(%arg9 : memref<!tpu.dma_semaphore, #tpu.memory_space<semaphore_mem>>) src(%dma_wait3A_76 : memref<100000x1024xf32, #tpu.memory_space<hbm>>) dst(%arg8 : memref<32x1024xf32, #tpu.memory_space<vmem>>)
    %add3A_77 = arith.constant 64 : i32
    %add3A_78 = arith.addi %mul3A_2, %add3A_77 : i32
    %dma_start3A_79 = arith.constant 0 : i32
    %dma_start3A_80 = tpu.memref_slice %arg4[%add3A_78, %dma_start3A_79] : memref<8192x1024xf32, #tpu.memory_space<hbm>> -> memref<32x1024xf32, #tpu.memory_space<hbm>>
    %dma_start3A_81 = arith.constant 0 : i32
    %dma_start3A_82 = tpu.memref_slice %arg4[%add3A_78, %dma_start3A_81] : memref<8192x1024xf32, #tpu.memory_space<hbm>> -> memref<32x1024xf32, #tpu.memory_space<hbm>>
    tpu.enqueue_dma source(%arg8 : memref<32x1024xf32, #tpu.memory_space<vmem>>) target(%dma_start3A_82 : memref<32x1024xf32, #tpu.memory_space<hbm>>) target_semaphore(%arg10 : memref<!tpu.dma_semaphore, #tpu.memory_space<semaphore_mem>>)
    %dma_wait3A_83 = arith.constant 0 : i32
    %dma_wait3A_84 = tpu.memref_slice %arg4[%add3A_78, %dma_wait3A_83] : memref<8192x1024xf32, #tpu.memory_space<hbm>> -> memref<32x1024xf32, #tpu.memory_space<hbm>>
    %dma_wait3A_85 = arith.constant 0 : i32
    %dma_wait3A_86 = tpu.memref_slice %arg4[%add3A_78, %dma_wait3A_85] : memref<8192x1024xf32, #tpu.memory_space<hbm>> -> memref<32x1024xf32, #tpu.memory_space<hbm>>
    tpu.wait_dma2 semaphore(%arg10 : memref<!tpu.dma_semaphore, #tpu.memory_space<semaphore_mem>>) src(%arg8 : memref<32x1024xf32, #tpu.memory_space<vmem>>) dst(%dma_wait3A_86 : memref<32x1024xf32, #tpu.memory_space<hbm>>)
    %dma_start3A_87 = arith.constant 5 : i32
    %dma_start3A_88 = arith.constant 0 : i32
    %dma_start3A_89 = tpu.memref_slice %arg5[%dma_start3A_87, %dma_start3A_88] : memref<8x32xi32, #tpu.memory_space<vmem>> -> memref<1x32xi32, #tpu.memory_space<vmem>>
    %dma_start3A_90 = tpu.memref_squeeze %dma_start3A_89 : memref<1x32xi32, #tpu.memory_space<vmem>> -> memref<32xi32, #tpu.memory_space<vmem>>
    %dma_start3A_91 = arith.constant 0 : i32
    %dma_start3A_92 = arith.constant 0 : i32
    %dma_start3A_93 = tpu.memref_slice %arg3[%dma_start3A_91, %dma_start3A_92] : memref<100000x1024xf32, #tpu.memory_space<hbm>> -> memref<100000x1024xf32, #tpu.memory_space<hbm>>
    tpu.enqueue_indirect_dma source(%dma_start3A_93 : memref<100000x1024xf32, #tpu.memory_space<hbm>>) target(%arg8 : memref<32x1024xf32, #tpu.memory_space<vmem>>) offsets(%dma_start3A_90 : memref<32xi32, #tpu.memory_space<vmem>>) semaphore(%arg9 : memref<!tpu.dma_semaphore, #tpu.memory_space<semaphore_mem>>)
    %dma_wait3A_94 = arith.constant 3 : i32
    %dma_wait3A_95 = arith.constant 0 : i32
    %dma_wait3A_96 = tpu.memref_slice %arg5[%dma_wait3A_94, %dma_wait3A_95] : memref<8x32xi32, #tpu.memory_space<vmem>> -> memref<1x32xi32, #tpu.memory_space<vmem>>
    %dma_wait3A_97 = tpu.memref_squeeze %dma_wait3A_96 : memref<1x32xi32, #tpu.memory_space<vmem>> -> memref<32xi32, #tpu.memory_space<vmem>>
    %dma_wait3A_98 = arith.constant 0 : i32
    %dma_wait3A_99 = arith.constant 0 : i32
    %dma_wait3A_100 = tpu.memref_slice %arg3[%dma_wait3A_98, %dma_wait3A_99] : memref<100000x1024xf32, #tpu.memory_space<hbm>> -> memref<100000x1024xf32, #tpu.memory_space<hbm>>
    tpu.wait_indirect_dma semaphore(%arg9 : memref<!tpu.dma_semaphore, #tpu.memory_space<semaphore_mem>>) src(%dma_wait3A_100 : memref<100000x1024xf32, #tpu.memory_space<hbm>>) dst(%arg6 : memref<32x1024xf32, #tpu.memory_space<vmem>>)
    %add3A_101 = arith.constant 96 : i32
    %add3A_102 = arith.addi %mul3A_2, %add3A_101 : i32
    %dma_start3A_103 = arith.constant 0 : i32
    %dma_start3A_104 = tpu.memref_slice %arg4[%add3A_102, %dma_start3A_103] : memref<8192x1024xf32, #tpu.memory_space<hbm>> -> memref<32x1024xf32, #tpu.memory_space<hbm>>
    %dma_start3A_105 = arith.constant 0 : i32
    %dma_start3A_106 = tpu.memref_slice %arg4[%add3A_102, %dma_start3A_105] : memref<8192x1024xf32, #tpu.memory_space<hbm>> -> memref<32x1024xf32, #tpu.memory_space<hbm>>
    tpu.enqueue_dma source(%arg6 : memref<32x1024xf32, #tpu.memory_space<vmem>>) target(%dma_start3A_106 : memref<32x1024xf32, #tpu.memory_space<hbm>>) target_semaphore(%arg10 : memref<!tpu.dma_semaphore, #tpu.memory_space<semaphore_mem>>)
    %dma_wait3A_107 = arith.constant 0 : i32
    %dma_wait3A_108 = tpu.memref_slice %arg4[%add3A_102, %dma_wait3A_107] : memref<8192x1024xf32, #tpu.memory_space<hbm>> -> memref<32x1024xf32, #tpu.memory_space<hbm>>
    %dma_wait3A_109 = arith.constant 0 : i32
    %dma_wait3A_110 = tpu.memref_slice %arg4[%add3A_102, %dma_wait3A_109] : memref<8192x1024xf32, #tpu.memory_space<hbm>> -> memref<32x1024xf32, #tpu.memory_space<hbm>>
    tpu.wait_dma2 semaphore(%arg10 : memref<!tpu.dma_semaphore, #tpu.memory_space<semaphore_mem>>) src(%arg6 : memref<32x1024xf32, #tpu.memory_space<vmem>>) dst(%dma_wait3A_110 : memref<32x1024xf32, #tpu.memory_space<hbm>>)
    %dma_start3A_111 = arith.constant 6 : i32
    %dma_start3A_112 = arith.constant 0 : i32
    %dma_start3A_113 = tpu.memref_slice %arg5[%dma_start3A_111, %dma_start3A_112] : memref<8x32xi32, #tpu.memory_space<vmem>> -> memref<1x32xi32, #tpu.memory_space<vmem>>
    %dma_start3A_114 = tpu.memref_squeeze %dma_start3A_113 : memref<1x32xi32, #tpu.memory_space<vmem>> -> memref<32xi32, #tpu.memory_space<vmem>>
    %dma_start3A_115 = arith.constant 0 : i32
    %dma_start3A_116 = arith.constant 0 : i32
    %dma_start3A_117 = tpu.memref_slice %arg3[%dma_start3A_115, %dma_start3A_116] : memref<100000x1024xf32, #tpu.memory_space<hbm>> -> memref<100000x1024xf32, #tpu.memory_space<hbm>>
    tpu.enqueue_indirect_dma source(%dma_start3A_117 : memref<100000x1024xf32, #tpu.memory_space<hbm>>) target(%arg6 : memref<32x1024xf32, #tpu.memory_space<vmem>>) offsets(%dma_start3A_114 : memref<32xi32, #tpu.memory_space<vmem>>) semaphore(%arg9 : memref<!tpu.dma_semaphore, #tpu.memory_space<semaphore_mem>>)
    %dma_wait3A_118 = arith.constant 4 : i32
    %dma_wait3A_119 = arith.constant 0 : i32
    %dma_wait3A_120 = tpu.memref_slice %arg5[%dma_wait3A_118, %dma_wait3A_119] : memref<8x32xi32, #tpu.memory_space<vmem>> -> memref<1x32xi32, #tpu.memory_space<vmem>>
    %dma_wait3A_121 = tpu.memref_squeeze %dma_wait3A_120 : memref<1x32xi32, #tpu.memory_space<vmem>> -> memref<32xi32, #tpu.memory_space<vmem>>
    %dma_wait3A_122 = arith.constant 0 : i32
    %dma_wait3A_123 = arith.constant 0 : i32
    %dma_wait3A_124 = tpu.memref_slice %arg3[%dma_wait3A_122, %dma_wait3A_123] : memref<100000x1024xf32, #tpu.memory_space<hbm>> -> memref<100000x1024xf32, #tpu.memory_space<hbm>>
    tpu.wait_indirect_dma semaphore(%arg9 : memref<!tpu.dma_semaphore, #tpu.memory_space<semaphore_mem>>) src(%dma_wait3A_124 : memref<100000x1024xf32, #tpu.memory_space<hbm>>) dst(%arg7 : memref<32x1024xf32, #tpu.memory_space<vmem>>)
    %add3A_125 = arith.constant 128 : i32
    %add3A_126 = arith.addi %mul3A_2, %add3A_125 : i32
    %dma_start3A_127 = arith.constant 0 : i32
    %dma_start3A_128 = tpu.memref_slice %arg4[%add3A_126, %dma_start3A_127] : memref<8192x1024xf32, #tpu.memory_space<hbm>> -> memref<32x1024xf32, #tpu.memory_space<hbm>>
    %dma_start3A_129 = arith.constant 0 : i32
    %dma_start3A_130 = tpu.memref_slice %arg4[%add3A_126, %dma_start3A_129] : memref<8192x1024xf32, #tpu.memory_space<hbm>> -> memref<32x1024xf32, #tpu.memory_space<hbm>>
    tpu.enqueue_dma source(%arg7 : memref<32x1024xf32, #tpu.memory_space<vmem>>) target(%dma_start3A_130 : memref<32x1024xf32, #tpu.memory_space<hbm>>) target_semaphore(%arg10 : memref<!tpu.dma_semaphore, #tpu.memory_space<semaphore_mem>>)
    %dma_wait3A_131 = arith.constant 0 : i32
    %dma_wait3A_132 = tpu.memref_slice %arg4[%add3A_126, %dma_wait3A_131] : memref<8192x1024xf32, #tpu.memory_space<hbm>> -> memref<32x1024xf32, #tpu.memory_space<hbm>>
    %dma_wait3A_133 = arith.constant 0 : i32
    %dma_wait3A_134 = tpu.memref_slice %arg4[%add3A_126, %dma_wait3A_133] : memref<8192x1024xf32, #tpu.memory_space<hbm>> -> memref<32x1024xf32, #tpu.memory_space<hbm>>
    tpu.wait_dma2 semaphore(%arg10 : memref<!tpu.dma_semaphore, #tpu.memory_space<semaphore_mem>>) src(%arg7 : memref<32x1024xf32, #tpu.memory_space<vmem>>) dst(%dma_wait3A_134 : memref<32x1024xf32, #tpu.memory_space<hbm>>)
    %dma_start3A_135 = arith.constant 7 : i32
    %dma_start3A_136 = arith.constant 0 : i32
    %dma_start3A_137 = tpu.memref_slice %arg5[%dma_start3A_135, %dma_start3A_136] : memref<8x32xi32, #tpu.memory_space<vmem>> -> memref<1x32xi32, #tpu.memory_space<vmem>>
    %dma_start3A_138 = tpu.memref_squeeze %dma_start3A_137 : memref<1x32xi32, #tpu.memory_space<vmem>> -> memref<32xi32, #tpu.memory_space<vmem>>
    %dma_start3A_139 = arith.constant 0 : i32
    %dma_start3A_140 = arith.constant 0 : i32
    %dma_start3A_141 = tpu.memref_slice %arg3[%dma_start3A_139, %dma_start3A_140] : memref<100000x1024xf32, #tpu.memory_space<hbm>> -> memref<100000x1024xf32, #tpu.memory_space<hbm>>
    tpu.enqueue_indirect_dma source(%dma_start3A_141 : memref<100000x1024xf32, #tpu.memory_space<hbm>>) target(%arg7 : memref<32x1024xf32, #tpu.memory_space<vmem>>) offsets(%dma_start3A_138 : memref<32xi32, #tpu.memory_space<vmem>>) semaphore(%arg9 : memref<!tpu.dma_semaphore, #tpu.memory_space<semaphore_mem>>)
    %dma_wait3A_142 = arith.constant 5 : i32
    %dma_wait3A_143 = arith.constant 0 : i32
    %dma_wait3A_144 = tpu.memref_slice %arg5[%dma_wait3A_142, %dma_wait3A_143] : memref<8x32xi32, #tpu.memory_space<vmem>> -> memref<1x32xi32, #tpu.memory_space<vmem>>
    %dma_wait3A_145 = tpu.memref_squeeze %dma_wait3A_144 : memref<1x32xi32, #tpu.memory_space<vmem>> -> memref<32xi32, #tpu.memory_space<vmem>>
    %dma_wait3A_146 = arith.constant 0 : i32
    %dma_wait3A_147 = arith.constant 0 : i32
    %dma_wait3A_148 = tpu.memref_slice %arg3[%dma_wait3A_146, %dma_wait3A_147] : memref<100000x1024xf32, #tpu.memory_space<hbm>> -> memref<100000x1024xf32, #tpu.memory_space<hbm>>
    tpu.wait_indirect_dma semaphore(%arg9 : memref<!tpu.dma_semaphore, #tpu.memory_space<semaphore_mem>>) src(%dma_wait3A_148 : memref<100000x1024xf32, #tpu.memory_space<hbm>>) dst(%arg8 : memref<32x1024xf32, #tpu.memory_space<vmem>>)
    %add3A_149 = arith.constant 160 : i32
    %add3A_150 = arith.addi %mul3A_2, %add3A_149 : i32
    %dma_start3A_151 = arith.constant 0 : i32
    %dma_start3A_152 = tpu.memref_slice %arg4[%add3A_150, %dma_start3A_151] : memref<8192x1024xf32, #tpu.memory_space<hbm>> -> memref<32x1024xf32, #tpu.memory_space<hbm>>
    %dma_start3A_153 = arith.constant 0 : i32
    %dma_start3A_154 = tpu.memref_slice %arg4[%add3A_150, %dma_start3A_153] : memref<8192x1024xf32, #tpu.memory_space<hbm>> -> memref<32x1024xf32, #tpu.memory_space<hbm>>
    tpu.enqueue_dma source(%arg8 : memref<32x1024xf32, #tpu.memory_space<vmem>>) target(%dma_start3A_154 : memref<32x1024xf32, #tpu.memory_space<hbm>>) target_semaphore(%arg10 : memref<!tpu.dma_semaphore, #tpu.memory_space<semaphore_mem>>)
    %dma_wait3A_155 = arith.constant 6 : i32
    %dma_wait3A_156 = arith.constant 0 : i32
    %dma_wait3A_157 = tpu.memref_slice %arg5[%dma_wait3A_155, %dma_wait3A_156] : memref<8x32xi32, #tpu.memory_space<vmem>> -> memref<1x32xi32, #tpu.memory_space<vmem>>
    %dma_wait3A_158 = tpu.memref_squeeze %dma_wait3A_157 : memref<1x32xi32, #tpu.memory_space<vmem>> -> memref<32xi32, #tpu.memory_space<vmem>>
    %dma_wait3A_159 = arith.constant 0 : i32
    %dma_wait3A_160 = arith.constant 0 : i32
    %dma_wait3A_161 = tpu.memref_slice %arg3[%dma_wait3A_159, %dma_wait3A_160] : memref<100000x1024xf32, #tpu.memory_space<hbm>> -> memref<100000x1024xf32, #tpu.memory_space<hbm>>
    tpu.wait_indirect_dma semaphore(%arg9 : memref<!tpu.dma_semaphore, #tpu.memory_space<semaphore_mem>>) src(%dma_wait3A_161 : memref<100000x1024xf32, #tpu.memory_space<hbm>>) dst(%arg6 : memref<32x1024xf32, #tpu.memory_space<vmem>>)
    %add3A_162 = arith.constant 192 : i32
    %add3A_163 = arith.addi %mul3A_2, %add3A_162 : i32
    %dma_start3A_164 = arith.constant 0 : i32
    %dma_start3A_165 = tpu.memref_slice %arg4[%add3A_163, %dma_start3A_164] : memref<8192x1024xf32, #tpu.memory_space<hbm>> -> memref<32x1024xf32, #tpu.memory_space<hbm>>
    %dma_start3A_166 = arith.constant 0 : i32
    %dma_start3A_167 = tpu.memref_slice %arg4[%add3A_163, %dma_start3A_166] : memref<8192x1024xf32, #tpu.memory_space<hbm>> -> memref<32x1024xf32, #tpu.memory_space<hbm>>
    tpu.enqueue_dma source(%arg6 : memref<32x1024xf32, #tpu.memory_space<vmem>>) target(%dma_start3A_167 : memref<32x1024xf32, #tpu.memory_space<hbm>>) target_semaphore(%arg10 : memref<!tpu.dma_semaphore, #tpu.memory_space<semaphore_mem>>)
    %dma_wait3A_168 = arith.constant 7 : i32
    %dma_wait3A_169 = arith.constant 0 : i32
    %dma_wait3A_170 = tpu.memref_slice %arg5[%dma_wait3A_168, %dma_wait3A_169] : memref<8x32xi32, #tpu.memory_space<vmem>> -> memref<1x32xi32, #tpu.memory_space<vmem>>
    %dma_wait3A_171 = tpu.memref_squeeze %dma_wait3A_170 : memref<1x32xi32, #tpu.memory_space<vmem>> -> memref<32xi32, #tpu.memory_space<vmem>>
    %dma_wait3A_172 = arith.constant 0 : i32
    %dma_wait3A_173 = arith.constant 0 : i32
    %dma_wait3A_174 = tpu.memref_slice %arg3[%dma_wait3A_172, %dma_wait3A_173] : memref<100000x1024xf32, #tpu.memory_space<hbm>> -> memref<100000x1024xf32, #tpu.memory_space<hbm>>
    tpu.wait_indirect_dma semaphore(%arg9 : memref<!tpu.dma_semaphore, #tpu.memory_space<semaphore_mem>>) src(%dma_wait3A_174 : memref<100000x1024xf32, #tpu.memory_space<hbm>>) dst(%arg7 : memref<32x1024xf32, #tpu.memory_space<vmem>>)
    %add3A_175 = arith.constant 224 : i32
    %add3A_176 = arith.addi %mul3A_2, %add3A_175 : i32
    %dma_start3A_177 = arith.constant 0 : i32
    %dma_start3A_178 = tpu.memref_slice %arg4[%add3A_176, %dma_start3A_177] : memref<8192x1024xf32, #tpu.memory_space<hbm>> -> memref<32x1024xf32, #tpu.memory_space<hbm>>
    %dma_start3A_179 = arith.constant 0 : i32
    %dma_start3A_180 = tpu.memref_slice %arg4[%add3A_176, %dma_start3A_179] : memref<8192x1024xf32, #tpu.memory_space<hbm>> -> memref<32x1024xf32, #tpu.memory_space<hbm>>
    tpu.enqueue_dma source(%arg7 : memref<32x1024xf32, #tpu.memory_space<vmem>>) target(%dma_start3A_180 : memref<32x1024xf32, #tpu.memory_space<hbm>>) target_semaphore(%arg10 : memref<!tpu.dma_semaphore, #tpu.memory_space<semaphore_mem>>)
    %dma_wait3A_181 = arith.constant 0 : i32
    %dma_wait3A_182 = tpu.memref_slice %arg4[%add3A_150, %dma_wait3A_181] : memref<8192x1024xf32, #tpu.memory_space<hbm>> -> memref<32x1024xf32, #tpu.memory_space<hbm>>
    %dma_wait3A_183 = arith.constant 0 : i32
    %dma_wait3A_184 = tpu.memref_slice %arg4[%add3A_150, %dma_wait3A_183] : memref<8192x1024xf32, #tpu.memory_space<hbm>> -> memref<32x1024xf32, #tpu.memory_space<hbm>>
    tpu.wait_dma2 semaphore(%arg10 : memref<!tpu.dma_semaphore, #tpu.memory_space<semaphore_mem>>) src(%arg8 : memref<32x1024xf32, #tpu.memory_space<vmem>>) dst(%dma_wait3A_184 : memref<32x1024xf32, #tpu.memory_space<hbm>>)
    %dma_wait3A_185 = arith.constant 0 : i32
    %dma_wait3A_186 = tpu.memref_slice %arg4[%add3A_163, %dma_wait3A_185] : memref<8192x1024xf32, #tpu.memory_space<hbm>> -> memref<32x1024xf32, #tpu.memory_space<hbm>>
    %dma_wait3A_187 = arith.constant 0 : i32
    %dma_wait3A_188 = tpu.memref_slice %arg4[%add3A_163, %dma_wait3A_187] : memref<8192x1024xf32, #tpu.memory_space<hbm>> -> memref<32x1024xf32, #tpu.memory_space<hbm>>
    tpu.wait_dma2 semaphore(%arg10 : memref<!tpu.dma_semaphore, #tpu.memory_space<semaphore_mem>>) src(%arg6 : memref<32x1024xf32, #tpu.memory_space<vmem>>) dst(%dma_wait3A_188 : memref<32x1024xf32, #tpu.memory_space<hbm>>)
    %dma_wait3A_189 = arith.constant 0 : i32
    %dma_wait3A_190 = tpu.memref_slice %arg4[%add3A_176, %dma_wait3A_189] : memref<8192x1024xf32, #tpu.memory_space<hbm>> -> memref<32x1024xf32, #tpu.memory_space<hbm>>
    %dma_wait3A_191 = arith.constant 0 : i32
    %dma_wait3A_192 = tpu.memref_slice %arg4[%add3A_176, %dma_wait3A_191] : memref<8192x1024xf32, #tpu.memory_space<hbm>> -> memref<32x1024xf32, #tpu.memory_space<hbm>>
    tpu.wait_dma2 semaphore(%arg10 : memref<!tpu.dma_semaphore, #tpu.memory_space<semaphore_mem>>) src(%arg7 : memref<32x1024xf32, #tpu.memory_space<vmem>>) dst(%dma_wait3A_192 : memref<32x1024xf32, #tpu.memory_space<hbm>>)
    return
  }
}

</mosaic_0001>

<sc_bundles>
// kernel: _sc_gather.3.cloned.1.call-start
scs
__scs_entry_jumppad:
0x0: {  	(pc) =	sbr.rel $0x88, $3  }
0x1: {  	(tag) =	ssettag $0x0;
	lr =	simm.s32 $0x1  }
0x2: {  	[smem:$0x3F9F] =	sst lr;
	_ =	strace $0xD0000000  }
0x3: {  	_ = 	snop  }
0x4: {  	_ = 	snop  }
0x5: {  	_ = 	snop  }
0x6: {  	_ = 	snop  }
0x7: {  	_ = 	snop  }
__scs_overlays_trampoline_lowered:
0x8: {  	[smem:$0x3FAE] =	sst s0  }
0x9: {  	[smem:$0x3FAF] =	sst s1  }
0xa: {  	[smem:$0x3FB0] =	sst s2  }
0xb: {  	[smem:$0x3FB1] =	sst s3  }
0xc: {  	[smem:$0x3FB2] =	sst s4  }
0xd: {  	[smem:$0x3FB3] =	sst s5  }
0xe: {  	[smem:$0x3FB4] =	sst s6  }
0xf: {  	[smem:$0x3FB5] =	sst s7  }
0x10: {  	[smem:$0x3FB6] =	sst s8  }
0x11: {  	[smem:$0x3FB7] =	sst s9;
	s0 =	simm.s32 @!p0 $0x0  }
0x12: {  	s1 =	sld [smem:$0x3F9D];
	s0 =	simm.s32 @p0 $0x1  }
0x13: {  	[smem:$0x3FB8] =	sst s0;
	s0 =	simm.s32 @!p1 $0x0  }
0x14: {  	s2 =	sld [smem:$0x3F9C];
	s0 =	simm.s32 @p1 $0x1  }
0x15: {  	[smem:$0x3FB9] =	sst s0;
	s0 =	simm.s32 @!p2 $0x0  }
0x16: {  	s3 =	sld [smem:$0x3FDB];
	s0 =	simm.s32 @p2 $0x1  }
0x17: {  	s4 =	simm.s32 $0x1BF5;
	[smem:$0x3FBB] =	sst s0  }
0x18: {  	s0 =	sld [smem:$0x3F9E];
	_ =	swait.ge [sflag:s4], $0x0  }
0x19: {  	s7 =	sld [smem:$0x3F9F]  }
0x1a: {  	s8 =	sadd.s32 $0xFFFFE003, lr  }
0x1b: {  	s9 =	sadd.s32 $0xFFFFFEF7, lr;
	s5 =	simm.s32 $0xFFFFFFFF;
	p2 =	slt.u32 s8, $0xFFFFF086  }
0x1c: {  	p1 =	slt.u32 s9, $0xF7A;
	s5 =	simm.s32 @!p2 $0x0  }
0x1d: {  	s5 =	simm.s32 @p1 $0x1;
	p0 =	seq.s32 s7, s2  }
0x1e: {  	s7 =	smul.u32 @!p0 $0xF7A, s2;
	p2 =	seq.s32 @!p0 s5, $0x0  }
0x1f: {  	s9 =	smul.u32 $0xF7A, s1;
	s8 =	simm.s32 @!p0 $0x1BF5;
	p2 =	por !p2, p0  }
0x20: {  	[sflag:s8] =	ssyncset.s32 @!p0 $0xFFFFF086;
	s6 =	sadd.s32 @!p0 s3, s7;
	s7 =	simm.s32 @!p0 $0x108  }
0x21: {  	s3 =	sadd.s32 s3, s9;
	s6 =	sadd.s32 @!p0 $0x88, s6;
	s7 =	simm.s32 @p2 $0x1082  }
0x22: {  	[simem:s7], [sflag:s8] =	dma.local @!p0 [hbm:s6], $0xF7A  }
0x23: {  	s9 =	sor.u32 $0xD0000000, s2;
	s6 =	simm.s32 $0x108;
	_ =	swait.ge @!p0 [sflag:s8], $0x0  }
0x24: {  	s3 =	sadd.s32 $0x88, s3;
	s6 =	simm.s32 @!p1 $0x1082;
	[sflag:s4] =	ssyncset.s32 $0xFFFFF086  }
0x25: {  	[simem:s6], [sflag:s4] =	dma.local [hbm:s3], $0xF7A  }
0x26: {  	[smem:$0x3F9F] =	sst s1;
	(tag) =	ssettag s2;
	_ =	strace s9  }
0x27: {  	s1 =	sld [smem:$0x3FAF]  }
0x28: {  	s2 =	sld [smem:$0x3FB0]  }
0x29: {  	s4 =	sld [smem:$0x3FB2]  }
0x2a: {  	p0 =	seq.s32 s5, $0x0;
	s5 =	sld [smem:$0x3FB3]  }
0x2b: {  	s6 =	sld [smem:$0x3FB4]  }
0x2c: {  	s7 =	sld [smem:$0x3FB5]  }
0x2d: {  	s3 =	simm.s32 $0x108;
	s8 =	sld [smem:$0x3FB6]  }
0x2e: {  	s3 =	simm.s32 @!p0 $0x1082;
	s9 =	sld [smem:$0x3FB7]  }
0x2f: {  	lr =	sadd.s32 s0, s3;
	s0 =	sld [smem:$0x3FAE]  }
0x30: {  	s3 =	sld [smem:$0x3FB1]  }
0x31: {  	[smem:$0x3FBA] =	sst s10  }
0x32: {  	s10 =	sld [smem:$0x3FB8];
	_ =	sdelay $0x3  }
0x33: {  	p0 =	seq.s32 s10, $0x1;
	s10 =	sld [smem:$0x3FBA];
	_ =	sdelay $0x3  }
0x34: {  	[smem:$0x3FBA] =	sst s10  }
0x35: {  	s10 =	sld [smem:$0x3FB9];
	_ =	sdelay $0x3  }
0x36: {  	p1 =	seq.s32 s10, $0x1;
	s10 =	sld [smem:$0x3FBA];
	_ =	sdelay $0x3  }
0x37: {  	[smem:$0x3FBA] =	sst s10  }
0x38: {  	s10 =	sld [smem:$0x3FBB]  }
0x39: {  	_ = 	snop;
	(pc) =	sbr.ind lr, $3  }
0x3a: {  	_ = 	snop  }
0x3b: {  	_ = 	snop  }
0x3c: {  	p2 =	seq.s32 s10, $0x1;
	s10 =	sld [smem:$0x3FBA]  }
0x3d: {  	_ =	shalt  }
0x3e: {  	_ =	shalt  }
0x3f: {  	_ =	shalt  }
0x40: {  	_ =	shalt  }
0x41: {  	_ =	shalt  }
0x42: {  	_ =	shalt  }
0x43: {  	_ =	shalt  }
0x44: {  	_ =	shalt  }
0x45: {  	_ =	shalt  }
0x46: {  	_ =	shalt  }
0x47: {  	_ =	shalt  }
0x48: {  	_ =	shalt  }
0x49: {  	_ =	shalt  }
0x4a: {  	_ =	shalt  }
0x4b: {  	_ =	shalt  }
0x4c: {  	_ =	shalt  }
0x4d: {  	_ =	shalt  }
0x4e: {  	_ =	shalt  }
0x4f: {  	_ =	shalt  }
0x50: {  	_ =	shalt  }
0x51: {  	_ =	shalt  }
0x52: {  	_ =	shalt  }
0x53: {  	_ =	shalt  }
0x54: {  	_ =	shalt  }
0x55: {  	_ =	shalt  }
0x56: {  	_ =	shalt  }
0x57: {  	_ =	shalt  }
0x58: {  	_ =	shalt  }
0x59: {  	_ =	shalt  }
0x5a: {  	_ =	shalt  }
0x5b: {  	_ =	shalt  }
0x5c: {  	_ =	shalt  }
0x5d: {  	_ =	shalt  }
0x5e: {  	_ =	shalt  }
0x5f: {  	_ =	shalt  }
0x60: {  	_ =	shalt  }
0x61: {  	_ =	shalt  }
0x62: {  	_ =	shalt  }
0x63: {  	_ =	shalt  }
0x64: {  	_ =	shalt  }
0x65: {  	_ =	shalt  }
0x66: {  	_ =	shalt  }
0x67: {  	_ =	shalt  }
0x68: {  	_ =	shalt  }
0x69: {  	_ =	shalt  }
0x6a: {  	_ =	shalt  }
0x6b: {  	_ =	shalt  }
0x6c: {  	_ =	shalt  }
0x6d: {  	_ =	shalt  }
0x6e: {  	_ =	shalt  }
0x6f: {  	_ =	shalt  }
0x70: {  	_ =	shalt  }
0x71: {  	_ =	shalt  }
0x72: {  	_ =	shalt  }
0x73: {  	_ =	shalt  }
0x74: {  	_ =	shalt  }
0x75: {  	_ =	shalt  }
0x76: {  	_ =	shalt  }
0x77: {  	_ =	shalt  }
0x78: {  	_ =	shalt  }
0x79: {  	_ =	shalt  }
0x7a: {  	_ =	shalt  }
0x7b: {  	_ =	shalt  }
0x7c: {  	_ =	shalt  }
0x7d: {  	_ =	shalt  }
0x7e: {  	_ =	shalt  }
0x7f: {  	_ =	shalt  }
0x80: {  	_ =	shalt  }
0x81: {  	_ =	shalt  }
0x82: {  	_ =	shalt  }
0x83: {  	_ =	shalt  }
0x84: {  	_ =	shalt  }
0x85: {  	_ =	shalt  }
0x86: {  	_ =	shalt  }
0x87: {  	_ =	shalt  }
.Lfunc_end0:
.L_simem_size_0:
called_computation_lowered:
.L_overlay_start_0:
0x88: {  	s2 =	sld [smem:$0x3FD9]  }
0x89: {  	s3 =	sld [smem:$0x3FFE];
	_ =	sdelay $0x1  }
0x8a: {  	s1 =	srdreg.scid  }
0x8b: {  	s0 =	sand.u32 $0x1, s1  }
0x8c: {  	s17 =	sshll.u32 s0, $0xA;
	s2 =	sadd.s32 s3, s2  }
0x8d: {  	s2 =	sadd.s32 s2, s17  }
0x8e: {  	[smem:$0x3FC6] =	sst s2  }
0x8f: {  	_ = 	snop  }
0x90: {  	s2 =	sld [smem:$0x3FC8]  }
0x91: {  	s18 =	sld [smem:$0x3FD0];
	(tm) =	ssettm $0x1  }
0x92: {  	s4 =	sld [smem:$0x3FFB];
	_ =	sdelay $0x3  }
0x93: {  	_ =	strace s4  }
0x94: {  	s4 =	sld [smem:$0x3FFC];
	_ =	sdelay $0x3  }
0x95: {  	_ =	strace s4  }
0x96: {  	s4 =	sld [smem:$0x3FFD];
	_ =	sdelay $0x3  }
0x97: {  	_ =	strace s4  }
0x98: {  	_ =	strace $0x8FFFFFFF  }
0x99: {  	s19 =	sld [smem:$0x3FDB];
	_ =	sdelay $0x1  }
0x9a: {  	s5 =	simm.s32 $_scs_section_size  }
0x9b: {  	s6 =	simm.s32 $_size__tile_overlayer_lowered;
	s7 =	simm.s32 $_tile_overlayer_lowered  }
0x9c: {  	s22 =	simm.s32 $0x1BFF;
	s21 =	sshll.u32 s7, $0x1;
	s4 =	sadd.s32 s5, s19  }
0x9d: {  	s8 =	simm.s32 $0x0;
	s20 =	sshll.u32 s6, $0x1;
	s6 =	sadd.s32 s21, s4  }
0x9e: {  	[timem:s8], [sflag:s22] =	dma.local [hbm:s6], s20  }
0x9f: {  	_ =	swait.ge [sflag:s22], s20  }
0xa0: {  	s5 =	ssub.s32 $0x0, s20;
	[sflag:s22] =	ssyncset.done $0x0  }
0xa1: {  	[sflag:s22] =	ssyncadd.s32 s5;
	_ =	sdelay $0x1  }
0xa2: {  	s23 =	simm.s32 $0x1B8B  }
0xa3: {  	_ =	swait.ge [sflag:s23], $0x1  }
0xa4: {  	[sflag:s23] =	ssyncset.done $0x0  }
0xa5: {  	s25 =	simm.s32 $0x1B8E;
	s24 =	sld [smem:$0x3FFE];
	[sflag:s23] =	ssyncadd.s32 $0xFFFFFFFF  }
0xa6: {  	s26 =	simm.s32 $execute0_lowered;
	[smem:$0x3FD2] =	sst s25  }
0xa7: {  	s6 =	sshll.u32 s26, $0x1;
	_ =	strace $0x80000046;
	[dreg:$0x1] =	wrdreg $0xFFFFFFFF  }
0xa8: {  	s28 =	simm.s32 $_size_execute0_lowered;
	s4 =	sadd.s32 s4, s6;
	[dreg:$0x0] =	wrdreg $0x0  }
0xa9: {  	s6 =	sshll.u32 s28, $0x1;
	[dreg:$0x2] =	wrdreg s4  }
0xaa: {  	[dreg:$0x3] =	wrdreg s6  }
0xab: {  	[dreg:$0x4] =	wrdreg $0xC0  }
0xac: {  	_ =	task [dreg:s8], $0x5FFFF  }
0xad: {  	[dreg:$0x1] =	wrdreg $0xFFFFFFFF  }
0xae: {  	[dreg:$0x0] =	wrdreg $0x60  }
0xaf: {  	[dreg:$0x2] =	wrdreg s24  }
0xb0: {  	[dreg:$0x3] =	wrdreg s2  }
0xb1: {  	[dreg:$0x4] =	wrdreg s18  }
0xb2: {  	[dreg:$0x5] =	wrdreg $0x9  }
0xb3: {  	_ =	task.clear_ibuf [dreg:s8], $0x6FFFF;
	_ =	strace $0x90000046  }
0xb4: {  	s29 =	simm.s32 $0x9;
	_ =	strace $0x80000048  }
0xb5: {  	_ =	swait.ge [sflag:s29], $0x1  }
0xb6: {  	[sflag:s29] =	ssyncadd.s32 $0xFFFFFFFF  }
0xb7: {  	_ =	strace $0x90000048  }
0xb8: {  	_ =	sfence  }
0xb9: {  	s30 =	sld [smem:$0x0];
	_ =	sdelay $0x2  }
0xba: {  	s31 =	sshll.u32 s1, $0xD;
	s1 =	sshrl.u32 s1, $0x2  }
0xbb: {  	s3 =	sand.u32 $0x4000, s31;
	s1 =	sadd.s32 s1, s30  }
0xbc: {  	s0 =	sor.u32 s3, s0;
	s1 =	sshll.u32 s1, $0x11  }
0xbd: {  	s0 =	sor.u32 s1, s0  }
0xbe: {  	s0 =	sadd.s32 $0x8F2B, s0  }
0xbf: {  	[sflag:s0] =	ssyncadd.remote.s32 $0x1  }
0xc0: {  	_ =	sfence.sel $0xFFFF  }
0xc1: {  	[dreg:$0x0] =	wrdreg $0xFFFFFFFF;
	(pc) =	sbr.abs _section_cstart, $3  }
0xc2: {  	[dreg:$0x1] =	wrdreg $0xFFFFFFFF  }
0xc3: {  	_ =	task.clear_ibuf [dreg:s8], $0x2FFFF;
	_ =	strace $0x9FFFFFFF  }
0xc4: {  	(tm) =	ssettm $0x7FFFFFFF  }
0xc5: {  	_ =	shalt  }
tec
execute0_lowered:
.L_overlay_start_1:
0x0: {  	(tag) =	ssettag $0x1  }
0x1: {  	s0 =	rddreg [dreg:$0x0];
	s1 =	srdreg.scid  }
0x2: {  	s3 =	stileid.u32;
	s2 =	rddreg [dreg:$0x1]  }
0x3: {  	s4 =	rddreg [dreg:$0x2];
	s28 =	simm.s32 $0x2C00;
	s29 =	simm.s32 $0x3400  }
0x4: {  	s30 =	simm.s32 $0x3C00;
	s31 =	simm.s32 $0x4400;
	s9 =	simm.s32 $0x11C00  }
0x5: {  	s10 =	simm.s32 $0x12400;
	s11 =	simm.s32 $0x12C00;
	s12 =	simm.s32 $0x13400  }
0x6: {  	s13 =	simm.s32 $0x13C00;
	s14 =	simm.s32 $0x14400;
	s15 =	simm.s32 $0x14C00  }
0x7: {  	s16 =	simm.s32 $0x15400;
	s1 =	sand.u32 $0x1, s1;
	s3 =	sshll.u32 s3, $0x1  }
0x8: {  	s17 =	simm.s32 $0x15C00;
	s18 =	simm.s32 $0x16400;
	s5 =	sor.u32 s1, s3  }
0x9: {  	s3 =	simm.s32 $0x0;
	s6 =	sshll.u32 s5, $0x7;
	s5 =	sshll.u32 s5, $0xF  }
0xa: {  	[smem:$0x7FF] =	sst s3;
	s0 =	sadd.s32 s6, s0;
	s7 =	sadd.s32 s4, s5  }
0xb: {  	_ =	strace $0x80000047;
	s0 =	sadd.s32 $0x400, s0;
	[dreg:$0xc] =	wrdreg s7  }
0xc: {  	s1 =	ssub.s32 $0x2, s1;
	s19 =	sadd.s32 $0x1000, s7;
	[dreg:$0x4] =	wrdreg s0  }
0xd: {  	s22 =	sshrl.u32 s1, $0x1;
	s20 =	sadd.s32 $0x2000, s7;
	[dreg:$0x5] =	wrdreg s19  }
0xe: {  	s1 =	ssub.s32 s1, s22;
	s21 =	sadd.s32 $0x3000, s7;
	[dreg:$0x6] =	wrdreg s20  }
0xf: {  	s5 =	sadd.s32 $0x100, s2;
	s23 =	sadd.s32 $0x4000, s7;
	[dreg:$0x7] =	wrdreg s21  }
0x10: {  	s6 =	sadd.s32 $0x200, s2;
	s24 =	sadd.s32 $0x5000, s7;
	[dreg:$0x8] =	wrdreg s23  }
0x11: {  	s4 =	simm.s32 $0x11400;
	s25 =	sadd.s32 $0x6000, s7;
	[dreg:$0x9] =	wrdreg s24  }
0x12: {  	s22 =	simm.s32 $0x16C00;
	s26 =	sadd.s32 $0x7000, s7;
	[dreg:$0xa] =	wrdreg s25  }
0x13: {  	v2 =	vlaneseq.u32;
	s7 =	sadd.s32 $0x300, s2;
	s8 =	smax.u32 s1, $0x1;
	[dreg:$0xb] =	wrdreg s26  }
0x14: {  	vm0 =	vmmov $0xffff;
	v1 =	vshrl.u32 v2, $0x3;
	s19 =	simm.s32 $0x1;
	s20 =	simm.s32 $0x2;
	s26 =	simm.s32 $0x400  }
0x15: {  	v0 =	vand.u32 $0x7, v2;
	v2 =	vor.u32 $0x8, v2;
	v1 =	vmul.u32 $0x8, v1;
	s25 =	simm.s32 $0x10400;
	s23 =	simm.s32 $0x17400;
	s24 =	simm.s32 $0x17C00  }
.LBB2_1:
0x16: {  	s21 =	rddreg [dreg:$0x4];
	s1 =	simm.s32 $0x3  }
0x17: {  	[tilespmem:s3], [sflag:$0x3] =	stream.linear.gather [hbm4b:s21+s3], $0x400, $0x38;
	[tilespmem:$0x18400] =	vst v63  }
0x18: {  	_ =	swait.ge [sflag:s1], $0x400  }
0x19: {  	[sflag:s1] =	ssyncset.done $0x0  }
0x1a: {  	[sflag:s1] =	ssyncadd.s32 $0xFFFFFC00  }
0x1b: {  	v3 =	vld [tilespmem:$0x0];
	_ =	sdelay $0x4  }
0x1c: {  	v4 =	vshll.u32 v3, $0x3  }
0x1d: {  	v3 =	vand.u32 $0x7, v3;
	v4 =	vand.u32 $0xFFFFFFC0, v4  }
0x1e: {  	v3 =	vor.u32 v3, v4  }
0x1f: {  	v4 =	vperm.xlane v3, v0;
	_ =	sdelay $0x1  }
0x20: {  	v4 =	vadd.s32 v1, v4;
	_ =	sdelay $0x4  }
0x21: {  	[tilespmem:s26], [sflag:$0x1] =	stream.indirect_vreg.gather [hbm4b:s2+s3], $0x80, v4, vm0, $0xb8;
	[tilespmem:$0x18400] =	vst v63  }
0x22: {  	s0 =	simm.s32 $0xC00;
	v3 =	vperm.xlane v3, v2  }
0x23: {  	[tilespmem:s0], [sflag:$0x1] =	stream.indirect_vreg.gather [hbm4b:s5+s3], $0x80, v4, vm0, $0xb8;
	[tilespmem:$0x18400] =	vst v63  }
0x24: {  	s21 =	simm.s32 $0x1400;
	v3 =	vadd.s32 v1, v3  }
0x25: {  	[tilespmem:s21], [sflag:$0x1] =	stream.indirect_vreg.gather [hbm4b:s6+s3], $0x80, v4, vm0, $0xb8;
	[tilespmem:$0x18400] =	vst v63  }
0x26: {  	s1 =	simm.s32 $0x1C00  }
0x27: {  	[tilespmem:s1], [sflag:$0x1] =	stream.indirect_vreg.gather [hbm4b:s7+s3], $0x80, v4, vm0, $0xb8;
	[tilespmem:$0x18400] =	vst v63  }
0x28: {  	s21 =	simm.s32 $0x2400  }
0x29: {  	[tilespmem:s21], [sflag:$0x1] =	stream.indirect_vreg.gather [hbm4b:s2+s3], $0x80, v3, vm0, $0xb8;
	[tilespmem:$0x18400] =	vst v63  }
0x2a: {  	_ = 	snop  }
0x2b: {  	[tilespmem:s28], [sflag:$0x1] =	stream.indirect_vreg.gather [hbm4b:s5+s3], $0x80, v3, vm0, $0xb8;
	[tilespmem:$0x18400] =	vst v63  }
0x2c: {  	_ = 	snop  }
0x2d: {  	[tilespmem:s29], [sflag:$0x1] =	stream.indirect_vreg.gather [hbm4b:s6+s3], $0x80, v3, vm0, $0xb8;
	[tilespmem:$0x18400] =	vst v63  }
0x2e: {  	_ = 	snop  }
0x2f: {  	[tilespmem:s30], [sflag:$0x1] =	stream.indirect_vreg.gather [hbm4b:s7+s3], $0x80, v3, vm0, $0xb8;
	[tilespmem:$0x18400] =	vst v63  }
0x30: {  	v3 =	vld [tilespmem:$0x10];
	_ =	sdelay $0x4  }
0x31: {  	v49 =	vshll.u32 v3, $0x3  }
0x32: {  	v3 =	vand.u32 $0x7, v3;
	v4 =	vand.u32 $0xFFFFFFC0, v49  }
0x33: {  	v3 =	vor.u32 v3, v4  }
0x34: {  	v4 =	vperm.xlane v3, v0;
	_ =	sdelay $0x1  }
0x35: {  	v4 =	vadd.s32 v1, v4;
	_ =	sdelay $0x4  }
0x36: {  	[tilespmem:s31], [sflag:$0x1] =	stream.indirect_vreg.gather [hbm4b:s2+s3], $0x80, v4, vm0, $0xb8;
	[tilespmem:$0x18400] =	vst v63  }
0x37: {  	s1 =	simm.s32 $0x4C00;
	v3 =	vperm.xlane v3, v2  }
0x38: {  	[tilespmem:s1], [sflag:$0x1] =	stream.indirect_vreg.gather [hbm4b:s5+s3], $0x80, v4, vm0, $0xb8;
	[tilespmem:$0x18400] =	vst v63  }
0x39: {  	s21 =	simm.s32 $0x5400;
	v3 =	vadd.s32 v1, v3  }
0x3a: {  	[tilespmem:s21], [sflag:$0x1] =	stream.indirect_vreg.gather [hbm4b:s6+s3], $0x80, v4, vm0, $0xb8;
	[tilespmem:$0x18400] =	vst v63  }
0x3b: {  	s1 =	simm.s32 $0x5C00  }
0x3c: {  	[tilespmem:s1], [sflag:$0x1] =	stream.indirect_vreg.gather [hbm4b:s7+s3], $0x80, v4, vm0, $0xb8;
	[tilespmem:$0x18400] =	vst v63  }
0x3d: {  	s21 =	simm.s32 $0x6400  }
0x3e: {  	[tilespmem:s21], [sflag:$0x1] =	stream.indirect_vreg.gather [hbm4b:s2+s3], $0x80, v3, vm0, $0xb8;
	[tilespmem:$0x18400] =	vst v63  }
0x3f: {  	s1 =	simm.s32 $0x6C00  }
0x40: {  	[tilespmem:s1], [sflag:$0x1] =	stream.indirect_vreg.gather [hbm4b:s5+s3], $0x80, v3, vm0, $0xb8;
	[tilespmem:$0x18400] =	vst v63  }
0x41: {  	s21 =	simm.s32 $0x7400  }
0x42: {  	[tilespmem:s21], [sflag:$0x1] =	stream.indirect_vreg.gather [hbm4b:s6+s3], $0x80, v3, vm0, $0xb8;
	[tilespmem:$0x18400] =	vst v63  }
0x43: {  	s1 =	simm.s32 $0x7C00  }
0x44: {  	[tilespmem:s1], [sflag:$0x1] =	stream.indirect_vreg.gather [hbm4b:s7+s3], $0x80, v3, vm0, $0xb8;
	[tilespmem:$0x18400] =	vst v63  }
0x45: {  	v3 =	vld [tilespmem:$0x80];
	_ =	sdelay $0x4  }
0x46: {  	v50 =	vshll.u32 v3, $0x3  }
0x47: {  	v3 =	vand.u32 $0x7, v3;
	v4 =	vand.u32 $0xFFFFFFC0, v50  }
0x48: {  	v3 =	vor.u32 v3, v4  }
0x49: {  	v4 =	vperm.xlane v3, v0;
	_ =	sdelay $0x1  }
0x4a: {  	v4 =	vadd.s32 v1, v4;
	_ =	sdelay $0x3  }
0x4b: {  	s0 =	simm.s32 $0x8400  }
0x4c: {  	[tilespmem:s0], [sflag:$0x1] =	stream.indirect_vreg.gather [hbm4b:s2+s3], $0x80, v4, vm0, $0xb8;
	[tilespmem:$0x18400] =	vst v63  }
0x4d: {  	s1 =	simm.s32 $0x8C00;
	v3 =	vperm.xlane v3, v2  }
0x4e: {  	[tilespmem:s1], [sflag:$0x1] =	stream.indirect_vreg.gather [hbm4b:s5+s3], $0x80, v4, vm0, $0xb8;
	[tilespmem:$0x18400] =	vst v63  }
0x4f: {  	s21 =	simm.s32 $0x9400;
	v3 =	vadd.s32 v1, v3  }
0x50: {  	[tilespmem:s21], [sflag:$0x1] =	stream.indirect_vreg.gather [hbm4b:s6+s3], $0x80, v4, vm0, $0xb8;
	[tilespmem:$0x18400] =	vst v63  }
0x51: {  	s21 =	simm.s32 $0x9C00  }
0x52: {  	[tilespmem:s21], [sflag:$0x1] =	stream.indirect_vreg.gather [hbm4b:s7+s3], $0x80, v4, vm0, $0xb8;
	[tilespmem:$0x18400] =	vst v63  }
0x53: {  	s21 =	simm.s32 $0xA400  }
0x54: {  	[tilespmem:s21], [sflag:$0x1] =	stream.indirect_vreg.gather [hbm4b:s2+s3], $0x80, v3, vm0, $0xb8;
	[tilespmem:$0x18400] =	vst v63  }
0x55: {  	s21 =	simm.s32 $0xAC00  }
0x56: {  	[tilespmem:s21], [sflag:$0x1] =	stream.indirect_vreg.gather [hbm4b:s5+s3], $0x80, v3, vm0, $0xb8;
	[tilespmem:$0x18400] =	vst v63  }
0x57: {  	s21 =	simm.s32 $0xB400  }
0x58: {  	[tilespmem:s21], [sflag:$0x1] =	stream.indirect_vreg.gather [hbm4b:s6+s3], $0x80, v3, vm0, $0xb8;
	[tilespmem:$0x18400] =	vst v63  }
0x59: {  	s21 =	simm.s32 $0xBC00  }
0x5a: {  	[tilespmem:s21], [sflag:$0x1] =	stream.indirect_vreg.gather [hbm4b:s7+s3], $0x80, v3, vm0, $0xb8;
	[tilespmem:$0x18400] =	vst v63  }
0x5b: {  	v3 =	vld [tilespmem:$0x90];
	_ =	sdelay $0x4  }
0x5c: {  	v51 =	vshll.u32 v3, $0x3  }
0x5d: {  	v3 =	vand.u32 $0x7, v3;
	v4 =	vand.u32 $0xFFFFFFC0, v51  }
0x5e: {  	v3 =	vor.u32 v3, v4  }
0x5f: {  	v4 =	vperm.xlane v3, v0;
	_ =	sdelay $0x1  }
0x60: {  	v4 =	vadd.s32 v1, v4;
	_ =	sdelay $0x3  }
0x61: {  	s21 =	simm.s32 $0xC400  }
0x62: {  	[tilespmem:s21], [sflag:$0x1] =	stream.indirect_vreg.gather [hbm4b:s2+s3], $0x80, v4, vm0, $0xb8;
	[tilespmem:$0x18400] =	vst v63  }
0x63: {  	v3 =	vperm.xlane v3, v2;
	s21 =	simm.s32 $0xCC00  }
0x64: {  	[tilespmem:s21], [sflag:$0x1] =	stream.indirect_vreg.gather [hbm4b:s5+s3], $0x80, v4, vm0, $0xb8;
	[tilespmem:$0x18400] =	vst v63  }
0x65: {  	v3 =	vadd.s32 v1, v3;
	s21 =	simm.s32 $0xD400  }
0x66: {  	[tilespmem:s21], [sflag:$0x1] =	stream.indirect_vreg.gather [hbm4b:s6+s3], $0x80, v4, vm0, $0xb8;
	[tilespmem:$0x18400] =	vst v63  }
0x67: {  	s21 =	simm.s32 $0xDC00  }
0x68: {  	[tilespmem:s21], [sflag:$0x1] =	stream.indirect_vreg.gather [hbm4b:s7+s3], $0x80, v4, vm0, $0xb8;
	[tilespmem:$0x18400] =	vst v63  }
0x69: {  	s21 =	simm.s32 $0xE400  }
0x6a: {  	[tilespmem:s21], [sflag:$0x1] =	stream.indirect_vreg.gather [hbm4b:s2+s3], $0x80, v3, vm0, $0xb8;
	[tilespmem:$0x18400] =	vst v63  }
0x6b: {  	s21 =	simm.s32 $0xEC00  }
0x6c: {  	[tilespmem:s21], [sflag:$0x1] =	stream.indirect_vreg.gather [hbm4b:s5+s3], $0x80, v3, vm0, $0xb8;
	[tilespmem:$0x18400] =	vst v63  }
0x6d: {  	s21 =	simm.s32 $0xF400  }
0x6e: {  	[tilespmem:s21], [sflag:$0x1] =	stream.indirect_vreg.gather [hbm4b:s6+s3], $0x80, v3, vm0, $0xb8;
	[tilespmem:$0x18400] =	vst v63  }
0x6f: {  	s21 =	simm.s32 $0xFC00  }
0x70: {  	[tilespmem:s21], [sflag:$0x1] =	stream.indirect_vreg.gather [hbm4b:s7+s3], $0x80, v3, vm0, $0xb8;
	[tilespmem:$0x18400] =	vst v63  }
0x71: {  	v3 =	vld [tilespmem:$0x100];
	_ =	sdelay $0x4  }
0x72: {  	v52 =	vshll.u32 v3, $0x3  }
0x73: {  	v3 =	vand.u32 $0x7, v3;
	v4 =	vand.u32 $0xFFFFFFC0, v52  }
0x74: {  	v3 =	vor.u32 v3, v4  }
0x75: {  	v4 =	vperm.xlane v3, v0;
	_ =	sdelay $0x1  }
0x76: {  	v4 =	vadd.s32 v1, v4;
	_ =	sdelay $0x4  }
0x77: {  	[tilespmem:s25], [sflag:$0x1] =	stream.indirect_vreg.gather [hbm4b:s2+s3], $0x80, v4, vm0, $0xb8;
	[tilespmem:$0x18400] =	vst v63  }
0x78: {  	s1 =	simm.s32 $0x10C00;
	v3 =	vperm.xlane v3, v2  }
0x79: {  	[tilespmem:s1], [sflag:$0x1] =	stream.indirect_vreg.gather [hbm4b:s5+s3], $0x80, v4, vm0, $0xb8;
	[tilespmem:$0x18400] =	vst v63  }
0x7a: {  	v3 =	vadd.s32 v1, v3  }
0x7b: {  	[tilespmem:s4], [sflag:$0x1] =	stream.indirect_vreg.gather [hbm4b:s6+s3], $0x80, v4, vm0, $0xb8;
	[tilespmem:$0x18400] =	vst v63  }
0x7c: {  	_ = 	snop  }
0x7d: {  	[tilespmem:s9], [sflag:$0x1] =	stream.indirect_vreg.gather [hbm4b:s7+s3], $0x80, v4, vm0, $0xb8;
	[tilespmem:$0x18400] =	vst v63  }
0x7e: {  	_ = 	snop  }
0x7f: {  	[tilespmem:s10], [sflag:$0x1] =	stream.indirect_vreg.gather [hbm4b:s2+s3], $0x80, v3, vm0, $0xb8;
	[tilespmem:$0x18400] =	vst v63  }
0x80: {  	_ = 	snop  }
0x81: {  	[tilespmem:s11], [sflag:$0x1] =	stream.indirect_vreg.gather [hbm4b:s5+s3], $0x80, v3, vm0, $0xb8;
	[tilespmem:$0x18400] =	vst v63  }
0x82: {  	_ = 	snop  }
0x83: {  	[tilespmem:s12], [sflag:$0x1] =	stream.indirect_vreg.gather [hbm4b:s6+s3], $0x80, v3, vm0, $0xb8;
	[tilespmem:$0x18400] =	vst v63  }
0x84: {  	_ = 	snop  }
0x85: {  	[tilespmem:s13], [sflag:$0x1] =	stream.indirect_vreg.gather [hbm4b:s7+s3], $0x80, v3, vm0, $0xb8;
	[tilespmem:$0x18400] =	vst v63  }
0x86: {  	v3 =	vld [tilespmem:$0x110];
	_ =	sdelay $0x4  }
0x87: {  	v53 =	vshll.u32 v3, $0x3  }
0x88: {  	v3 =	vand.u32 $0x7, v3;
	v4 =	vand.u32 $0xFFFFFFC0, v53  }
0x89: {  	v3 =	vor.u32 v3, v4  }
0x8a: {  	v4 =	vperm.xlane v3, v0;
	_ =	sdelay $0x1  }
0x8b: {  	v4 =	vadd.s32 v1, v4;
	_ =	sdelay $0x4  }
0x8c: {  	[tilespmem:s14], [sflag:$0x1] =	stream.indirect_vreg.gather [hbm4b:s2+s3], $0x80, v4, vm0, $0xb8;
	[tilespmem:$0x18400] =	vst v63  }
0x8d: {  	v3 =	vperm.xlane v3, v2  }
0x8e: {  	[tilespmem:s15], [sflag:$0x1] =	stream.indirect_vreg.gather [hbm4b:s5+s3], $0x80, v4, vm0, $0xb8;
	[tilespmem:$0x18400] =	vst v63  }
0x8f: {  	v3 =	vadd.s32 v1, v3  }
0x90: {  	[tilespmem:s16], [sflag:$0x1] =	stream.indirect_vreg.gather [hbm4b:s6+s3], $0x80, v4, vm0, $0xb8;
	[tilespmem:$0x18400] =	vst v63  }
0x91: {  	_ = 	snop  }
0x92: {  	[tilespmem:s17], [sflag:$0x1] =	stream.indirect_vreg.gather [hbm4b:s7+s3], $0x80, v4, vm0, $0xb8;
	[tilespmem:$0x18400] =	vst v63  }
0x93: {  	_ = 	snop  }
0x94: {  	[tilespmem:s18], [sflag:$0x1] =	stream.indirect_vreg.gather [hbm4b:s2+s3], $0x80, v3, vm0, $0xb8;
	[tilespmem:$0x18400] =	vst v63  }
0x95: {  	_ = 	snop  }
0x96: {  	[tilespmem:s22], [sflag:$0x1] =	stream.indirect_vreg.gather [hbm4b:s5+s3], $0x80, v3, vm0, $0xb8;
	[tilespmem:$0x18400] =	vst v63  }
0x97: {  	_ = 	snop  }
0x98: {  	[tilespmem:s23], [sflag:$0x1] =	stream.indirect_vreg.gather [hbm4b:s6+s3], $0x80, v3, vm0, $0xb8;
	[tilespmem:$0x18400] =	vst v63  }
0x99: {  	_ = 	snop  }
0x9a: {  	[tilespmem:s24], [sflag:$0x1] =	stream.indirect_vreg.gather [hbm4b:s7+s3], $0x80, v3, vm0, $0xb8;
	[tilespmem:$0x18400] =	vst v63  }
0x9b: {  	_ =	swait.ge [sflag:s19], $0x8000  }
0x9c: {  	[sflag:s19] =	ssyncset.done $0x0  }
0x9d: {  	s21 =	rddreg [dreg:$0xc];
	[sflag:s19] =	ssyncadd.s32 $0xFFFF8000  }
0x9e: {  	[hbm4b:s21+s3] =	stream.linear.scatter [tilespmem:s26], [sflag:$0x2], $0x8000, $0x38;
	[tilespmem:$0x18400] =	vst v63  }
0x9f: {  	_ =	swait.ge [sflag:s20], $0x8000  }
0xa0: {  	[sflag:s20] =	ssyncset.done $0x0  }
0xa1: {  	[sflag:s20] =	ssyncadd.s32 $0xFFFF8000  }
0xa2: {  	v3 =	vld [tilespmem:$0x180];
	_ =	sdelay $0x4  }
0xa3: {  	v54 =	vshll.u32 v3, $0x3  }
0xa4: {  	v3 =	vand.u32 $0x7, v3;
	v4 =	vand.u32 $0xFFFFFFC0, v54  }
0xa5: {  	v3 =	vor.u32 v3, v4  }
0xa6: {  	v4 =	vperm.xlane v3, v0;
	_ =	sdelay $0x1  }
0xa7: {  	v4 =	vadd.s32 v1, v4;
	_ =	sdelay $0x4  }
0xa8: {  	[tilespmem:s26], [sflag:$0x1] =	stream.indirect_vreg.gather [hbm4b:s2+s3], $0x80, v4, vm0, $0xb8;
	[tilespmem:$0x18400] =	vst v63  }
0xa9: {  	s21 =	simm.s32 $0xC00;
	v3 =	vperm.xlane v3, v2  }
0xaa: {  	[tilespmem:s21], [sflag:$0x1] =	stream.indirect_vreg.gather [hbm4b:s5+s3], $0x80, v4, vm0, $0xb8;
	[tilespmem:$0x18400] =	vst v63  }
0xab: {  	v3 =	vadd.s32 v1, v3;
	s21 =	simm.s32 $0x1400  }
0xac: {  	[tilespmem:s21], [sflag:$0x1] =	stream.indirect_vreg.gather [hbm4b:s6+s3], $0x80, v4, vm0, $0xb8;
	[tilespmem:$0x18400] =	vst v63  }
0xad: {  	s21 =	simm.s32 $0x1C00  }
0xae: {  	[tilespmem:s21], [sflag:$0x1] =	stream.indirect_vreg.gather [hbm4b:s7+s3], $0x80, v4, vm0, $0xb8;
	[tilespmem:$0x18400] =	vst v63  }
0xaf: {  	s21 =	simm.s32 $0x2400  }
0xb0: {  	[tilespmem:s21], [sflag:$0x1] =	stream.indirect_vreg.gather [hbm4b:s2+s3], $0x80, v3, vm0, $0xb8;
	[tilespmem:$0x18400] =	vst v63  }
0xb1: {  	_ = 	snop  }
0xb2: {  	[tilespmem:s28], [sflag:$0x1] =	stream.indirect_vreg.gather [hbm4b:s5+s3], $0x80, v3, vm0, $0xb8;
	[tilespmem:$0x18400] =	vst v63  }
0xb3: {  	_ = 	snop  }
0xb4: {  	[tilespmem:s29], [sflag:$0x1] =	stream.indirect_vreg.gather [hbm4b:s6+s3], $0x80, v3, vm0, $0xb8;
	[tilespmem:$0x18400] =	vst v63  }
0xb5: {  	_ = 	snop  }
0xb6: {  	[tilespmem:s30], [sflag:$0x1] =	stream.indirect_vreg.gather [hbm4b:s7+s3], $0x80, v3, vm0, $0xb8;
	[tilespmem:$0x18400] =	vst v63  }
0xb7: {  	v3 =	vld [tilespmem:$0x190];
	_ =	sdelay $0x4  }
0xb8: {  	v55 =	vshll.u32 v3, $0x3  }
0xb9: {  	v3 =	vand.u32 $0x7, v3;
	v4 =	vand.u32 $0xFFFFFFC0, v55  }
0xba: {  	v3 =	vor.u32 v3, v4  }
0xbb: {  	v4 =	vperm.xlane v3, v0;
	_ =	sdelay $0x1  }
0xbc: {  	v4 =	vadd.s32 v1, v4;
	_ =	sdelay $0x4  }
0xbd: {  	[tilespmem:s31], [sflag:$0x1] =	stream.indirect_vreg.gather [hbm4b:s2+s3], $0x80, v4, vm0, $0xb8;
	[tilespmem:$0x18400] =	vst v63  }
0xbe: {  	s21 =	simm.s32 $0x4C00;
	v3 =	vperm.xlane v3, v2  }
0xbf: {  	[tilespmem:s21], [sflag:$0x1] =	stream.indirect_vreg.gather [hbm4b:s5+s3], $0x80, v4, vm0, $0xb8;
	[tilespmem:$0x18400] =	vst v63  }
0xc0: {  	v3 =	vadd.s32 v1, v3;
	s21 =	simm.s32 $0x5400  }
0xc1: {  	[tilespmem:s21], [sflag:$0x1] =	stream.indirect_vreg.gather [hbm4b:s6+s3], $0x80, v4, vm0, $0xb8;
	[tilespmem:$0x18400] =	vst v63  }
0xc2: {  	s21 =	simm.s32 $0x5C00  }
0xc3: {  	[tilespmem:s21], [sflag:$0x1] =	stream.indirect_vreg.gather [hbm4b:s7+s3], $0x80, v4, vm0, $0xb8;
	[tilespmem:$0x18400] =	vst v63  }
0xc4: {  	s21 =	simm.s32 $0x6400  }
0xc5: {  	[tilespmem:s21], [sflag:$0x1] =	stream.indirect_vreg.gather [hbm4b:s2+s3], $0x80, v3, vm0, $0xb8;
	[tilespmem:$0x18400] =	vst v63  }
0xc6: {  	s21 =	simm.s32 $0x6C00  }
0xc7: {  	[tilespmem:s21], [sflag:$0x1] =	stream.indirect_vreg.gather [hbm4b:s5+s3], $0x80, v3, vm0, $0xb8;
	[tilespmem:$0x18400] =	vst v63  }
0xc8: {  	s21 =	simm.s32 $0x7400  }
0xc9: {  	[tilespmem:s21], [sflag:$0x1] =	stream.indirect_vreg.gather [hbm4b:s6+s3], $0x80, v3, vm0, $0xb8;
	[tilespmem:$0x18400] =	vst v63  }
0xca: {  	s21 =	simm.s32 $0x7C00  }
0xcb: {  	[tilespmem:s21], [sflag:$0x1] =	stream.indirect_vreg.gather [hbm4b:s7+s3], $0x80, v3, vm0, $0xb8;
	[tilespmem:$0x18400] =	vst v63  }
0xcc: {  	_ =	swait.ge [sflag:s19], $0x8000  }
0xcd: {  	[sflag:s19] =	ssyncset.done $0x0  }
0xce: {  	s21 =	rddreg [dreg:$0x5];
	[sflag:s19] =	ssyncadd.s32 $0xFFFF8000  }
0xcf: {  	[hbm4b:s21+s3] =	stream.linear.scatter [tilespmem:s0], [sflag:$0x2], $0x8000, $0x38;
	[tilespmem:$0x18400] =	vst v63  }
0xd0: {  	_ =	swait.ge [sflag:s20], $0x8000  }
0xd1: {  	[sflag:s20] =	ssyncset.done $0x0  }
0xd2: {  	[sflag:s20] =	ssyncadd.s32 $0xFFFF8000  }
0xd3: {  	v3 =	vld [tilespmem:$0x200];
	_ =	sdelay $0x4  }
0xd4: {  	v56 =	vshll.u32 v3, $0x3  }
0xd5: {  	v3 =	vand.u32 $0x7, v3;
	v4 =	vand.u32 $0xFFFFFFC0, v56  }
0xd6: {  	v3 =	vor.u32 v3, v4  }
0xd7: {  	v4 =	vperm.xlane v3, v0;
	_ =	sdelay $0x1  }
0xd8: {  	v4 =	vadd.s32 v1, v4;
	_ =	sdelay $0x4  }
0xd9: {  	[tilespmem:s0], [sflag:$0x1] =	stream.indirect_vreg.gather [hbm4b:s2+s3], $0x80, v4, vm0, $0xb8;
	[tilespmem:$0x18400] =	vst v63  }
0xda: {  	s21 =	simm.s32 $0x8C00;
	v3 =	vperm.xlane v3, v2  }
0xdb: {  	[tilespmem:s21], [sflag:$0x1] =	stream.indirect_vreg.gather [hbm4b:s5+s3], $0x80, v4, vm0, $0xb8;
	[tilespmem:$0x18400] =	vst v63  }
0xdc: {  	v3 =	vadd.s32 v1, v3;
	s21 =	simm.s32 $0x9400  }
0xdd: {  	[tilespmem:s21], [sflag:$0x1] =	stream.indirect_vreg.gather [hbm4b:s6+s3], $0x80, v4, vm0, $0xb8;
	[tilespmem:$0x18400] =	vst v63  }
0xde: {  	s21 =	simm.s32 $0x9C00  }
0xdf: {  	[tilespmem:s21], [sflag:$0x1] =	stream.indirect_vreg.gather [hbm4b:s7+s3], $0x80, v4, vm0, $0xb8;
	[tilespmem:$0x18400] =	vst v63  }
0xe0: {  	s21 =	simm.s32 $0xA400  }
0xe1: {  	[tilespmem:s21], [sflag:$0x1] =	stream.indirect_vreg.gather [hbm4b:s2+s3], $0x80, v3, vm0, $0xb8;
	[tilespmem:$0x18400] =	vst v63  }
0xe2: {  	s21 =	simm.s32 $0xAC00  }
0xe3: {  	[tilespmem:s21], [sflag:$0x1] =	stream.indirect_vreg.gather [hbm4b:s5+s3], $0x80, v3, vm0, $0xb8;
	[tilespmem:$0x18400] =	vst v63  }
0xe4: {  	s21 =	simm.s32 $0xB400  }
0xe5: {  	[tilespmem:s21], [sflag:$0x1] =	stream.indirect_vreg.gather [hbm4b:s6+s3], $0x80, v3, vm0, $0xb8;
	[tilespmem:$0x18400] =	vst v63  }
0xe6: {  	s21 =	simm.s32 $0xBC00  }
0xe7: {  	[tilespmem:s21], [sflag:$0x1] =	stream.indirect_vreg.gather [hbm4b:s7+s3], $0x80, v3, vm0, $0xb8;
	[tilespmem:$0x18400] =	vst v63  }
0xe8: {  	v3 =	vld [tilespmem:$0x210];
	_ =	sdelay $0x4  }
0xe9: {  	v57 =	vshll.u32 v3, $0x3  }
0xea: {  	v3 =	vand.u32 $0x7, v3;
	v4 =	vand.u32 $0xFFFFFFC0, v57  }
0xeb: {  	v3 =	vor.u32 v3, v4  }
0xec: {  	v4 =	vperm.xlane v3, v0;
	_ =	sdelay $0x1  }
0xed: {  	v4 =	vadd.s32 v1, v4;
	_ =	sdelay $0x3  }
0xee: {  	s21 =	simm.s32 $0xC400  }
0xef: {  	[tilespmem:s21], [sflag:$0x1] =	stream.indirect_vreg.gather [hbm4b:s2+s3], $0x80, v4, vm0, $0xb8;
	[tilespmem:$0x18400] =	vst v63  }
0xf0: {  	v3 =	vperm.xlane v3, v2;
	s21 =	simm.s32 $0xCC00  }
0xf1: {  	[tilespmem:s21], [sflag:$0x1] =	stream.indirect_vreg.gather [hbm4b:s5+s3], $0x80, v4, vm0, $0xb8;
	[tilespmem:$0x18400] =	vst v63  }
0xf2: {  	v3 =	vadd.s32 v1, v3;
	s21 =	simm.s32 $0xD400  }
0xf3: {  	[tilespmem:s21], [sflag:$0x1] =	stream.indirect_vreg.gather [hbm4b:s6+s3], $0x80, v4, vm0, $0xb8;
	[tilespmem:$0x18400] =	vst v63  }
0xf4: {  	s21 =	simm.s32 $0xDC00  }
0xf5: {  	[tilespmem:s21], [sflag:$0x1] =	stream.indirect_vreg.gather [hbm4b:s7+s3], $0x80, v4, vm0, $0xb8;
	[tilespmem:$0x18400] =	vst v63  }
0xf6: {  	s21 =	simm.s32 $0xE400  }
0xf7: {  	[tilespmem:s21], [sflag:$0x1] =	stream.indirect_vreg.gather [hbm4b:s2+s3], $0x80, v3, vm0, $0xb8;
	[tilespmem:$0x18400] =	vst v63  }
0xf8: {  	s21 =	simm.s32 $0xEC00  }
0xf9: {  	[tilespmem:s21], [sflag:$0x1] =	stream.indirect_vreg.gather [hbm4b:s5+s3], $0x80, v3, vm0, $0xb8;
	[tilespmem:$0x18400] =	vst v63  }
0xfa: {  	s21 =	simm.s32 $0xF400  }
0xfb: {  	[tilespmem:s21], [sflag:$0x1] =	stream.indirect_vreg.gather [hbm4b:s6+s3], $0x80, v3, vm0, $0xb8;
	[tilespmem:$0x18400] =	vst v63  }
0xfc: {  	s21 =	simm.s32 $0xFC00  }
0xfd: {  	[tilespmem:s21], [sflag:$0x1] =	stream.indirect_vreg.gather [hbm4b:s7+s3], $0x80, v3, vm0, $0xb8;
	[tilespmem:$0x18400] =	vst v63  }
0xfe: {  	_ =	swait.ge [sflag:s19], $0x8000  }
0xff: {  	[sflag:s19] =	ssyncset.done $0x0  }
0x100: {  	s21 =	rddreg [dreg:$0x6];
	[sflag:s19] =	ssyncadd.s32 $0xFFFF8000  }
0x101: {  	[hbm4b:s21+s3] =	stream.linear.scatter [tilespmem:s25], [sflag:$0x2], $0x8000, $0x38;
	[tilespmem:$0x18400] =	vst v63  }
0x102: {  	_ =	swait.ge [sflag:s20], $0x8000  }
0x103: {  	[sflag:s20] =	ssyncset.done $0x0  }
0x104: {  	[sflag:s20] =	ssyncadd.s32 $0xFFFF8000  }
0x105: {  	v3 =	vld [tilespmem:$0x280];
	_ =	sdelay $0x4  }
0x106: {  	v58 =	vshll.u32 v3, $0x3  }
0x107: {  	v3 =	vand.u32 $0x7, v3;
	v4 =	vand.u32 $0xFFFFFFC0, v58  }
0x108: {  	v3 =	vor.u32 v3, v4  }
0x109: {  	v4 =	vperm.xlane v3, v0;
	_ =	sdelay $0x1  }
0x10a: {  	v4 =	vadd.s32 v1, v4;
	_ =	sdelay $0x4  }
0x10b: {  	[tilespmem:s25], [sflag:$0x1] =	stream.indirect_vreg.gather [hbm4b:s2+s3], $0x80, v4, vm0, $0xb8;
	[tilespmem:$0x18400] =	vst v63  }
0x10c: {  	v3 =	vperm.xlane v3, v2  }
0x10d: {  	[tilespmem:s1], [sflag:$0x1] =	stream.indirect_vreg.gather [hbm4b:s5+s3], $0x80, v4, vm0, $0xb8;
	[tilespmem:$0x18400] =	vst v63  }
0x10e: {  	v3 =	vadd.s32 v1, v3  }
0x10f: {  	[tilespmem:s4], [sflag:$0x1] =	stream.indirect_vreg.gather [hbm4b:s6+s3], $0x80, v4, vm0, $0xb8;
	[tilespmem:$0x18400] =	vst v63  }
0x110: {  	_ = 	snop  }
0x111: {  	[tilespmem:s9], [sflag:$0x1] =	stream.indirect_vreg.gather [hbm4b:s7+s3], $0x80, v4, vm0, $0xb8;
	[tilespmem:$0x18400] =	vst v63  }
0x112: {  	_ = 	snop  }
0x113: {  	[tilespmem:s10], [sflag:$0x1] =	stream.indirect_vreg.gather [hbm4b:s2+s3], $0x80, v3, vm0, $0xb8;
	[tilespmem:$0x18400] =	vst v63  }
0x114: {  	_ = 	snop  }
0x115: {  	[tilespmem:s11], [sflag:$0x1] =	stream.indirect_vreg.gather [hbm4b:s5+s3], $0x80, v3, vm0, $0xb8;
	[tilespmem:$0x18400] =	vst v63  }
0x116: {  	_ = 	snop  }
0x117: {  	[tilespmem:s12], [sflag:$0x1] =	stream.indirect_vreg.gather [hbm4b:s6+s3], $0x80, v3, vm0, $0xb8;
	[tilespmem:$0x18400] =	vst v63  }
0x118: {  	_ = 	snop  }
0x119: {  	[tilespmem:s13], [sflag:$0x1] =	stream.indirect_vreg.gather [hbm4b:s7+s3], $0x80, v3, vm0, $0xb8;
	[tilespmem:$0x18400] =	vst v63  }
0x11a: {  	v3 =	vld [tilespmem:$0x290];
	_ =	sdelay $0x4  }
0x11b: {  	v59 =	vshll.u32 v3, $0x3  }
0x11c: {  	v3 =	vand.u32 $0x7, v3;
	v4 =	vand.u32 $0xFFFFFFC0, v59  }
0x11d: {  	v3 =	vor.u32 v3, v4  }
0x11e: {  	v4 =	vperm.xlane v3, v0;
	_ =	sdelay $0x1  }
0x11f: {  	v4 =	vadd.s32 v1, v4;
	_ =	sdelay $0x4  }
0x120: {  	[tilespmem:s14], [sflag:$0x1] =	stream.indirect_vreg.gather [hbm4b:s2+s3], $0x80, v4, vm0, $0xb8;
	[tilespmem:$0x18400] =	vst v63  }
0x121: {  	v3 =	vperm.xlane v3, v2  }
0x122: {  	[tilespmem:s15], [sflag:$0x1] =	stream.indirect_vreg.gather [hbm4b:s5+s3], $0x80, v4, vm0, $0xb8;
	[tilespmem:$0x18400] =	vst v63  }
0x123: {  	v3 =	vadd.s32 v1, v3  }
0x124: {  	[tilespmem:s16], [sflag:$0x1] =	stream.indirect_vreg.gather [hbm4b:s6+s3], $0x80, v4, vm0, $0xb8;
	[tilespmem:$0x18400] =	vst v63  }
0x125: {  	_ = 	snop  }
0x126: {  	[tilespmem:s17], [sflag:$0x1] =	stream.indirect_vreg.gather [hbm4b:s7+s3], $0x80, v4, vm0, $0xb8;
	[tilespmem:$0x18400] =	vst v63  }
0x127: {  	_ = 	snop  }
0x128: {  	[tilespmem:s18], [sflag:$0x1] =	stream.indirect_vreg.gather [hbm4b:s2+s3], $0x80, v3, vm0, $0xb8;
	[tilespmem:$0x18400] =	vst v63  }
0x129: {  	_ = 	snop  }
0x12a: {  	[tilespmem:s22], [sflag:$0x1] =	stream.indirect_vreg.gather [hbm4b:s5+s3], $0x80, v3, vm0, $0xb8;
	[tilespmem:$0x18400] =	vst v63  }
0x12b: {  	_ = 	snop  }
0x12c: {  	[tilespmem:s23], [sflag:$0x1] =	stream.indirect_vreg.gather [hbm4b:s6+s3], $0x80, v3, vm0, $0xb8;
	[tilespmem:$0x18400] =	vst v63  }
0x12d: {  	_ = 	snop  }
0x12e: {  	[tilespmem:s24], [sflag:$0x1] =	stream.indirect_vreg.gather [hbm4b:s7+s3], $0x80, v3, vm0, $0xb8;
	[tilespmem:$0x18400] =	vst v63  }
0x12f: {  	_ =	swait.ge [sflag:s19], $0x8000  }
0x130: {  	[sflag:s19] =	ssyncset.done $0x0  }
0x131: {  	s1 =	rddreg [dreg:$0x7];
	[sflag:s19] =	ssyncadd.s32 $0xFFFF8000  }
0x132: {  	[hbm4b:s1+s3] =	stream.linear.scatter [tilespmem:s26], [sflag:$0x2], $0x8000, $0x38;
	[tilespmem:$0x18400] =	vst v63  }
0x133: {  	_ =	swait.ge [sflag:s20], $0x8000  }
0x134: {  	[sflag:s20] =	ssyncset.done $0x0  }
0x135: {  	[sflag:s20] =	ssyncadd.s32 $0xFFFF8000  }
0x136: {  	v3 =	vld [tilespmem:$0x300];
	_ =	sdelay $0x4  }
0x137: {  	v60 =	vshll.u32 v3, $0x3  }
0x138: {  	v3 =	vand.u32 $0x7, v3;
	v4 =	vand.u32 $0xFFFFFFC0, v60  }
0x139: {  	v3 =	vor.u32 v3, v4  }
0x13a: {  	v4 =	vperm.xlane v3, v0;
	_ =	sdelay $0x1  }
0x13b: {  	v4 =	vadd.s32 v1, v4;
	_ =	sdelay $0x4  }
0x13c: {  	[tilespmem:s26], [sflag:$0x1] =	stream.indirect_vreg.gather [hbm4b:s2+s3], $0x80, v4, vm0, $0xb8;
	[tilespmem:$0x18400] =	vst v63  }
0x13d: {  	s21 =	simm.s32 $0xC00;
	v3 =	vperm.xlane v3, v2  }
0x13e: {  	[tilespmem:s21], [sflag:$0x1] =	stream.indirect_vreg.gather [hbm4b:s5+s3], $0x80, v4, vm0, $0xb8;
	[tilespmem:$0x18400] =	vst v63  }
0x13f: {  	v3 =	vadd.s32 v1, v3;
	s21 =	simm.s32 $0x1400  }
0x140: {  	[tilespmem:s21], [sflag:$0x1] =	stream.indirect_vreg.gather [hbm4b:s6+s3], $0x80, v4, vm0, $0xb8;
	[tilespmem:$0x18400] =	vst v63  }
0x141: {  	s21 =	simm.s32 $0x1C00  }
0x142: {  	[tilespmem:s21], [sflag:$0x1] =	stream.indirect_vreg.gather [hbm4b:s7+s3], $0x80, v4, vm0, $0xb8;
	[tilespmem:$0x18400] =	vst v63  }
0x143: {  	s21 =	simm.s32 $0x2400  }
0x144: {  	[tilespmem:s21], [sflag:$0x1] =	stream.indirect_vreg.gather [hbm4b:s2+s3], $0x80, v3, vm0, $0xb8;
	[tilespmem:$0x18400] =	vst v63  }
0x145: {  	_ = 	snop  }
0x146: {  	[tilespmem:s28], [sflag:$0x1] =	stream.indirect_vreg.gather [hbm4b:s5+s3], $0x80, v3, vm0, $0xb8;
	[tilespmem:$0x18400] =	vst v63  }
0x147: {  	_ = 	snop  }
0x148: {  	[tilespmem:s29], [sflag:$0x1] =	stream.indirect_vreg.gather [hbm4b:s6+s3], $0x80, v3, vm0, $0xb8;
	[tilespmem:$0x18400] =	vst v63  }
0x149: {  	_ = 	snop  }
0x14a: {  	[tilespmem:s30], [sflag:$0x1] =	stream.indirect_vreg.gather [hbm4b:s7+s3], $0x80, v3, vm0, $0xb8;
	[tilespmem:$0x18400] =	vst v63  }
0x14b: {  	v3 =	vld [tilespmem:$0x310];
	_ =	sdelay $0x4  }
0x14c: {  	v61 =	vshll.u32 v3, $0x3  }
0x14d: {  	v3 =	vand.u32 $0x7, v3;
	v4 =	vand.u32 $0xFFFFFFC0, v61  }
0x14e: {  	v3 =	vor.u32 v3, v4  }
0x14f: {  	v4 =	vperm.xlane v3, v0;
	_ =	sdelay $0x1  }
0x150: {  	v4 =	vadd.s32 v1, v4;
	_ =	sdelay $0x4  }
0x151: {  	[tilespmem:s31], [sflag:$0x1] =	stream.indirect_vreg.gather [hbm4b:s2+s3], $0x80, v4, vm0, $0xb8;
	[tilespmem:$0x18400] =	vst v63  }
0x152: {  	s21 =	simm.s32 $0x4C00;
	v3 =	vperm.xlane v3, v2  }
0x153: {  	[tilespmem:s21], [sflag:$0x1] =	stream.indirect_vreg.gather [hbm4b:s5+s3], $0x80, v4, vm0, $0xb8;
	[tilespmem:$0x18400] =	vst v63  }
0x154: {  	v3 =	vadd.s32 v1, v3;
	s21 =	simm.s32 $0x5400  }
0x155: {  	[tilespmem:s21], [sflag:$0x1] =	stream.indirect_vreg.gather [hbm4b:s6+s3], $0x80, v4, vm0, $0xb8;
	[tilespmem:$0x18400] =	vst v63  }
0x156: {  	s21 =	simm.s32 $0x5C00  }
0x157: {  	[tilespmem:s21], [sflag:$0x1] =	stream.indirect_vreg.gather [hbm4b:s7+s3], $0x80, v4, vm0, $0xb8;
	[tilespmem:$0x18400] =	vst v63  }
0x158: {  	s21 =	simm.s32 $0x6400  }
0x159: {  	[tilespmem:s21], [sflag:$0x1] =	stream.indirect_vreg.gather [hbm4b:s2+s3], $0x80, v3, vm0, $0xb8;
	[tilespmem:$0x18400] =	vst v63  }
0x15a: {  	s21 =	simm.s32 $0x6C00  }
0x15b: {  	[tilespmem:s21], [sflag:$0x1] =	stream.indirect_vreg.gather [hbm4b:s5+s3], $0x80, v3, vm0, $0xb8;
	[tilespmem:$0x18400] =	vst v63  }
0x15c: {  	s21 =	simm.s32 $0x7400  }
0x15d: {  	[tilespmem:s21], [sflag:$0x1] =	stream.indirect_vreg.gather [hbm4b:s6+s3], $0x80, v3, vm0, $0xb8;
	[tilespmem:$0x18400] =	vst v63  }
0x15e: {  	s21 =	simm.s32 $0x7C00  }
0x15f: {  	[tilespmem:s21], [sflag:$0x1] =	stream.indirect_vreg.gather [hbm4b:s7+s3], $0x80, v3, vm0, $0xb8;
	[tilespmem:$0x18400] =	vst v63  }
0x160: {  	_ =	swait.ge [sflag:s19], $0x8000  }
0x161: {  	[sflag:s19] =	ssyncset.done $0x0  }
0x162: {  	s1 =	rddreg [dreg:$0x8];
	[sflag:s19] =	ssyncadd.s32 $0xFFFF8000  }
0x163: {  	[hbm4b:s1+s3] =	stream.linear.scatter [tilespmem:s0], [sflag:$0x2], $0x8000, $0x38;
	[tilespmem:$0x18400] =	vst v63  }
0x164: {  	_ =	swait.ge [sflag:s20], $0x8000  }
0x165: {  	[sflag:s20] =	ssyncset.done $0x0  }
0x166: {  	[sflag:s20] =	ssyncadd.s32 $0xFFFF8000  }
0x167: {  	v3 =	vld [tilespmem:$0x380];
	_ =	sdelay $0x4  }
0x168: {  	v62 =	vshll.u32 v3, $0x3  }
0x169: {  	v3 =	vand.u32 $0x7, v3;
	v4 =	vand.u32 $0xFFFFFFC0, v62  }
0x16a: {  	v3 =	vor.u32 v3, v4  }
0x16b: {  	v4 =	vperm.xlane v3, v0;
	_ =	sdelay $0x1  }
0x16c: {  	v4 =	vadd.s32 v1, v4;
	_ =	sdelay $0x4  }
0x16d: {  	[tilespmem:s0], [sflag:$0x1] =	stream.indirect_vreg.gather [hbm4b:s2+s3], $0x80, v4, vm0, $0xb8;
	[tilespmem:$0x18400] =	vst v63  }
0x16e: {  	s21 =	simm.s32 $0x8C00;
	v3 =	vperm.xlane v3, v2  }
0x16f: {  	[tilespmem:s21], [sflag:$0x1] =	stream.indirect_vreg.gather [hbm4b:s5+s3], $0x80, v4, vm0, $0xb8;
	[tilespmem:$0x18400] =	vst v63  }
0x170: {  	v3 =	vadd.s32 v1, v3;
	s21 =	simm.s32 $0x9400  }
0x171: {  	[tilespmem:s21], [sflag:$0x1] =	stream.indirect_vreg.gather [hbm4b:s6+s3], $0x80, v4, vm0, $0xb8;
	[tilespmem:$0x18400] =	vst v63  }
0x172: {  	s21 =	simm.s32 $0x9C00  }
0x173: {  	[tilespmem:s21], [sflag:$0x1] =	stream.indirect_vreg.gather [hbm4b:s7+s3], $0x80, v4, vm0, $0xb8;
	[tilespmem:$0x18400] =	vst v63  }
0x174: {  	s21 =	simm.s32 $0xA400  }
0x175: {  	[tilespmem:s21], [sflag:$0x1] =	stream.indirect_vreg.gather [hbm4b:s2+s3], $0x80, v3, vm0, $0xb8;
	[tilespmem:$0x18400] =	vst v63  }
0x176: {  	s21 =	simm.s32 $0xAC00  }
0x177: {  	[tilespmem:s21], [sflag:$0x1] =	stream.indirect_vreg.gather [hbm4b:s5+s3], $0x80, v3, vm0, $0xb8;
	[tilespmem:$0x18400] =	vst v63  }
0x178: {  	s21 =	simm.s32 $0xB400  }
0x179: {  	[tilespmem:s21], [sflag:$0x1] =	stream.indirect_vreg.gather [hbm4b:s6+s3], $0x80, v3, vm0, $0xb8;
	[tilespmem:$0x18400] =	vst v63  }
0x17a: {  	s21 =	simm.s32 $0xBC00  }
0x17b: {  	[tilespmem:s21], [sflag:$0x1] =	stream.indirect_vreg.gather [hbm4b:s7+s3], $0x80, v3, vm0, $0xb8;
	[tilespmem:$0x18400] =	vst v63  }
0x17c: {  	v3 =	vld [tilespmem:$0x390];
	_ =	sdelay $0x4  }
0x17d: {  	v63 =	vshll.u32 v3, $0x3  }
0x17e: {  	v3 =	vand.u32 $0x7, v3;
	v4 =	vand.u32 $0xFFFFFFC0, v63  }
0x17f: {  	v3 =	vor.u32 v3, v4  }
0x180: {  	v4 =	vperm.xlane v3, v0;
	_ =	sdelay $0x1  }
0x181: {  	v4 =	vadd.s32 v1, v4;
	_ =	sdelay $0x3  }
0x182: {  	s21 =	simm.s32 $0xC400  }
0x183: {  	[tilespmem:s21], [sflag:$0x1] =	stream.indirect_vreg.gather [hbm4b:s2+s3], $0x80, v4, vm0, $0xb8;
	[tilespmem:$0x18400] =	vst v63  }
0x184: {  	v3 =	vperm.xlane v3, v2;
	s21 =	simm.s32 $0xCC00  }
0x185: {  	[tilespmem:s21], [sflag:$0x1] =	stream.indirect_vreg.gather [hbm4b:s5+s3], $0x80, v4, vm0, $0xb8;
	[tilespmem:$0x18400] =	vst v63  }
0x186: {  	v3 =	vadd.s32 v1, v3;
	s21 =	simm.s32 $0xD400  }
0x187: {  	[tilespmem:s21], [sflag:$0x1] =	stream.indirect_vreg.gather [hbm4b:s6+s3], $0x80, v4, vm0, $0xb8;
	[tilespmem:$0x18400] =	vst v63  }
0x188: {  	s21 =	simm.s32 $0xDC00  }
0x189: {  	[tilespmem:s21], [sflag:$0x1] =	stream.indirect_vreg.gather [hbm4b:s7+s3], $0x80, v4, vm0, $0xb8;
	[tilespmem:$0x18400] =	vst v63  }
0x18a: {  	s21 =	simm.s32 $0xE400  }
0x18b: {  	[tilespmem:s21], [sflag:$0x1] =	stream.indirect_vreg.gather [hbm4b:s2+s3], $0x80, v3, vm0, $0xb8;
	[tilespmem:$0x18400] =	vst v63  }
0x18c: {  	s21 =	simm.s32 $0xEC00  }
0x18d: {  	[tilespmem:s21], [sflag:$0x1] =	stream.indirect_vreg.gather [hbm4b:s5+s3], $0x80, v3, vm0, $0xb8;
	[tilespmem:$0x18400] =	vst v63  }
0x18e: {  	s21 =	simm.s32 $0xF400  }
0x18f: {  	[tilespmem:s21], [sflag:$0x1] =	stream.indirect_vreg.gather [hbm4b:s6+s3], $0x80, v3, vm0, $0xb8;
	[tilespmem:$0x18400] =	vst v63  }
0x190: {  	s21 =	simm.s32 $0xFC00  }
0x191: {  	[tilespmem:s21], [sflag:$0x1] =	stream.indirect_vreg.gather [hbm4b:s7+s3], $0x80, v3, vm0, $0xb8;
	[tilespmem:$0x18400] =	vst v63  }
0x192: {  	_ =	swait.ge [sflag:s19], $0x8000  }
0x193: {  	[sflag:s19] =	ssyncset.done $0x0  }
0x194: {  	s1 =	rddreg [dreg:$0x9];
	[sflag:s19] =	ssyncadd.s32 $0xFFFF8000  }
0x195: {  	[hbm4b:s1+s3] =	stream.linear.scatter [tilespmem:s25], [sflag:$0x2], $0x8000, $0x38;
	[tilespmem:$0x18400] =	vst v63  }
0x196: {  	_ =	swait.ge [sflag:s19], $0x8000  }
0x197: {  	[sflag:s19] =	ssyncset.done $0x0  }
0x198: {  	s1 =	rddreg [dreg:$0xa];
	[sflag:s19] =	ssyncadd.s32 $0xFFFF8000  }
0x199: {  	[hbm4b:s1+s3] =	stream.linear.scatter [tilespmem:s26], [sflag:$0x2], $0x8000, $0x38;
	[tilespmem:$0x18400] =	vst v63  }
0x19a: {  	_ =	swait.ge [sflag:s19], $0x8000  }
0x19b: {  	[sflag:s19] =	ssyncset.done $0x0  }
0x19c: {  	s1 =	rddreg [dreg:$0xb];
	[sflag:s19] =	ssyncadd.s32 $0xFFFF8000  }
0x19d: {  	[hbm4b:s1+s3] =	stream.linear.scatter [tilespmem:s0], [sflag:$0x2], $0x8000, $0x38;
	[tilespmem:$0x18400] =	vst v63  }
0x19e: {  	_ =	swait.ge [sflag:s20], $0x8000  }
0x19f: {  	[sflag:s20] =	ssyncset.done $0x0  }
0x1a0: {  	[sflag:s20] =	ssyncadd.s32 $0xFFFF8000  }
0x1a1: {  	p0 =	sne.s32 s8, $0x1;
	_ =	swait.ge [sflag:s20], $0x8000  }
.Ltmp0:
0x1a2: {  	[sflag:s20] =	ssyncset.done $0x0;
	(pc) =	sbr.rel @p0 .LBB2_1-.Ltmp0, $4  }
0x1a3: {  	[sflag:s20] =	ssyncadd.s32 $0xFFFF8000  }
0x1a4: {  	_ =	swait.ge [sflag:s20], $0x8000  }
0x1a5: {  	[sflag:s20] =	ssyncset.done $0x0  }
0x1a6: {  	s8 =	sadd.s32 $0xFFFFFFFF, s8;
	[sflag:s20] =	ssyncadd.s32 $0xFFFF8000  }
0x1a7: {  	_ =	sfence.sel $0x180000  }
0x1a8: {  	[bflag:$0x0] =	sbarrier.arrive $0xFFFF  }
0x1a9: {  	_ =	strace $0x90000047  }
0x1aa: {  	s0 =	stileid.u32;
	[bflag:$0x2] =	sbarrier.arrive $0xFFFF  }
0x1ab: {  	p0 =	sne.s32 s0, $0x0;
	s0 =	rddreg [dreg:$0x3]  }
0x1ac: {  	s0 =	sadd.s32 @!p0 $0x100000, s0  }
0x1ad: {  	[sflag:s0] =	ssyncadd.tile.s32 @!p0 $0x1;
	_ =	shalt  }
.Lfunc_end2:
_tile_overlayer_lowered:
.L_overlay_start_2:
0x1ae: {  	(tag) =	ssettag $0x2  }
0x1af: {  	s0 =	rddreg [dreg:$0x0];
	s2 =	stileid.u32  }
0x1b0: {  	s1 =	rddreg [dreg:$0x1];
	p0 =	sne.s32 s2, $0x0  }
0x1b1: {  	s3 =	rddreg [dreg:$0x2];
	[bflag:$0x3] =	sbarrier.arrive $0xFFFF;
	s2 =	simm.s32 @!p0 $0x1C03  }
0x1b2: {  	[timem:s3], [sflag:s2] =	dma.local @!p0 [hbm:s0], s1  }
0x1b3: {  	s0 =	simm.s32 @!p0 $0x3  }
0x1b4: {  	_ =	swait.ge @!p0 [sflag:s0], s1  }
0x1b5: {  	s1 =	ssub.s32 @!p0 $0x0, s1;
	[sflag:s0] =	ssyncset.done @!p0 $0x0  }
0x1b6: {  	[sflag:s0] =	ssyncadd.s32 @!p0 s1  }
0x1b7: {  	[bflag:$0x3] =	sbarrier.arrive $0xFFFF  }
0x1b8: {  	_ =	shalt  }

</sc_bundles>
